<compile_context>
chip_gen: v7x
topology: tpu7x:2x2x1
jax: 0.10.2.dev20260603
libtpu: 0.0.44.dev20260713+nightly
codegen_flags: <defaults>
</compile_context>

<pallas_src>
import functools

import jax
import jax.numpy as jnp
from jax import lax
from jax.experimental import pallas as pl
from jax.experimental.pallas import tpu as pltpu
from jax.experimental.pallas import tpu_sc as plsc

N_NODES = 10000
N_EDGES = 320000
D = 128

NC = 2
NS = 16
NW = NC * NS
LANE = 128
CH = 80
E_PAD = NW * CH * LANE
N_PAD = 10240
RPT = N_PAD // NS
DEG_W = 16

_mesh = plsc.VectorSubcoreMesh(
    core_axis_name="c", subcore_axis_name="s", num_cores=NC, num_subcores=NS)


@functools.partial(
    pl.kernel,
    out_type=jax.ShapeDtypeStruct((NC, N_PAD, DEG_W), jnp.float32),
    mesh=_mesh,
    scratch_types=[
        pltpu.VMEM((CH, LANE), jnp.int32),
        pltpu.VMEM((LANE, DEG_W), jnp.float32),
        pltpu.VMEM((LANE, DEG_W), jnp.float32),
        pltpu.VMEM_SHARED((N_PAD, DEG_W), jnp.float32),
    ],
)
def _deg_kernel(dstp_hbm, out_hbm, didx, ones, zeros, acc):
    c = lax.axis_index("c")
    s = lax.axis_index("s")
    wid = c * NS + s

    one16 = jnp.ones((16,), jnp.float32)
    zero16 = jnp.zeros((16,), jnp.float32)

    def fill(i, _):
        ones[i, pl.ds(0, 16)] = one16
        zeros[i, pl.ds(0, 16)] = zero16
        return 0
    lax.fori_loop(0, LANE, fill, 0)

    base = s * RPT
    for k in range(RPT // LANE):
        pltpu.sync_copy(zeros, acc.at[pl.ds(base + k * LANE, LANE)])
    plsc.subcore_barrier()

    pltpu.sync_copy(dstp_hbm.at[wid], didx)

    def body(j, _):
        pltpu.sync_copy(ones, acc.at[didx.at[j]], add=True)
        return 0
    lax.fori_loop(0, CH, body, 0)

    plsc.subcore_barrier()
    pltpu.sync_copy(acc.at[pl.ds(base, RPT)],
                    out_hbm.at[c, pl.ds(base, RPT)])


@functools.partial(
    pl.kernel,
    out_type=jax.ShapeDtypeStruct((NC, N_PAD, D), jnp.float32),
    mesh=_mesh,
    scratch_types=[
        pltpu.VMEM((2, LANE), jnp.int32),
        pltpu.VMEM((2, LANE), jnp.int32),
        pltpu.VMEM((LANE, D), jnp.float32),
        pltpu.VMEM((LANE, D), jnp.float32),
        pltpu.VMEM_SHARED((N_PAD, D), jnp.float32),
        pltpu.SemaphoreType.DMA,
        pltpu.SemaphoreType.DMA,
    ],
)
def _hop_kernel(h_hbm, idxc_hbm, out_hbm, slota, slotb, rowsa, rowsb,
                acc, sga, sgb):
    c = lax.axis_index("c")
    s = lax.axis_index("s")
    wid = c * NS + s
    cbase = wid * CH

    zero16 = jnp.zeros((16,), jnp.float32)

    with jax.named_scope("hop_zerofill"):
        def fill(i, _):
            def fill_in(j, _):
                rowsa[i, pl.ds(j * 16, 16)] = zero16
                return 0
            lax.fori_loop(0, D // 16, fill_in, 0)
            return 0
        lax.fori_loop(0, LANE, fill, 0)

    base = s * RPT
    with jax.named_scope("hop_zeroacc"):
        for k in range(RPT // LANE):
            pltpu.sync_copy(rowsa, acc.at[pl.ds(base + k * LANE, LANE)])
        plsc.subcore_barrier()

    with jax.named_scope("hop_edges"):
        def wait_gather(slot, buf, sem):
            pltpu.make_async_copy(h_hbm.at[slot.at[0]], buf, sem).wait()

        pltpu.sync_copy(idxc_hbm.at[cbase], slota)
        pltpu.async_copy(h_hbm.at[slota.at[0]], rowsa, sga)

        def body(jj, _):
            j1 = 2 * jj + 1
            j2 = 2 * jj + 2
            pltpu.sync_copy(idxc_hbm.at[cbase + j1], slotb)
            wait_gather(slota, rowsa, sga)
            pltpu.async_copy(h_hbm.at[slotb.at[0]], rowsb, sgb)
            pltpu.sync_copy(rowsa, acc.at[slota.at[1]], add=True)

            @pl.when(j2 < CH)
            def _():
                pltpu.sync_copy(idxc_hbm.at[cbase + j2], slota)
            wait_gather(slotb, rowsb, sgb)

            @pl.when(j2 < CH)
            def _():
                pltpu.async_copy(h_hbm.at[slota.at[0]], rowsa, sga)
            pltpu.sync_copy(rowsb, acc.at[slotb.at[1]], add=True)
            return 0
        lax.fori_loop(0, CH // 2, body, 0)
        plsc.subcore_barrier()

    with jax.named_scope("hop_writeout"):
        pltpu.sync_copy(acc.at[pl.ds(base, RPT)],
                        out_hbm.at[c, pl.ds(base, RPT)])


_BLK = 1024


def _scale_body(x_ref, d_ref, y_ref):
    deg = d_ref[0, :, 0:1] + d_ref[1, :, 0:1] + 1.0
    y_ref[...] = x_ref[...] * lax.rsqrt(deg)


def _mid_body(zp_ref, y_ref, d_ref, z_ref):
    deg = d_ref[0, :, 0:1] + d_ref[1, :, 0:1] + 1.0
    z_ref[...] = (zp_ref[0] + zp_ref[1] + y_ref[...]) / deg


def _out_body(wp_ref, z_ref, d_ref, w_ref, b_ref, o_ref):
    deg = d_ref[0, :, 0:1] + d_ref[1, :, 0:1] + 1.0
    w = (wp_ref[0] + wp_ref[1] + z_ref[...]) * lax.rsqrt(deg)
    o_ref[...] = (jnp.dot(w, w_ref[...], preferred_element_type=jnp.float32)
                  + b_ref[...])


def _row_spec(blk=_BLK, width=D):
    return pl.BlockSpec((blk, width), lambda i: (i, 0))


def _pair_spec(blk=_BLK, width=D):
    return pl.BlockSpec((2, blk, width), lambda i: (0, i, 0))


_GRID = (N_PAD // _BLK,)

_scale = pl.pallas_call(
    _scale_body,
    grid=_GRID,
    in_specs=[_row_spec(), _pair_spec(width=DEG_W)],
    out_specs=_row_spec(),
    out_shape=jax.ShapeDtypeStruct((N_PAD, D), jnp.float32),
)

_mid = pl.pallas_call(
    _mid_body,
    grid=_GRID,
    in_specs=[_pair_spec(), _row_spec(), _pair_spec(width=DEG_W)],
    out_specs=_row_spec(),
    out_shape=jax.ShapeDtypeStruct((N_PAD, D), jnp.float32),
)

_out = pl.pallas_call(
    _out_body,
    grid=_GRID,
    in_specs=[
        _pair_spec(), _row_spec(), _pair_spec(width=DEG_W),
        pl.BlockSpec((D, D), lambda i: (0, 0)),
        pl.BlockSpec((1, D), lambda i: (0, 0)),
    ],
    out_specs=_row_spec(),
    out_shape=jax.ShapeDtypeStruct((N_PAD, D), jnp.float32),
)


def kernel(x, edge_index, W, b):
    src = edge_index[0].astype(jnp.int32)
    dst = edge_index[1].astype(jnp.int32)
    pad = N_NODES + (jnp.arange(E_PAD - N_EDGES, dtype=jnp.int32)
                     % (N_PAD - N_NODES))
    srcp = jnp.concatenate([src, pad]).reshape(NW * CH, LANE)
    dstp = jnp.concatenate([dst, pad]).reshape(NW, CH, LANE)
    idxc = jnp.stack([srcp, dstp.reshape(NW * CH, LANE)], axis=1)
    x_p = jnp.pad(x, ((0, N_PAD - N_NODES), (0, 0)))
    degp = _deg_kernel(dstp)
    y = _scale(x_p, degp)
    zp = _hop_kernel(y, idxc)
    z = _mid(zp, y, degp)
    wp = _hop_kernel(z, idxc)
    out = _out(wp, z, degp, W, b.reshape(1, D))
    return out[:N_NODES]

# --- scband reference (transcript-rebuilt; emitter-appended) ---
"""Pipeline reference for scband-sgc-58858231824466 (READ-ONLY COPY).

The authoritative reference and input builder live on the scoring server;
editing this copy changes nothing except your own understanding.
"""

import jax, jax.numpy as jnp
import numpy as np

N_NODES = 10000
N_EDGES = 320000
D_IN = 128
D_OUT = 128
K_HOPS = 2


def setup_inputs(seed: int = 0) -> dict:
    key = jax.random.key(seed)
    k1, k2, k3, k4 = jax.random.split(key, 4)
    x = jax.random.normal(k1, (N_NODES, D_IN), dtype=jnp.float32)
    edge_index = jax.random.randint(k2, (2, N_EDGES), 0, N_NODES, dtype=jnp.int64)
    # SGConv linear layer params (Glorot-ish init)
    scale = 1.0 / np.sqrt(D_IN)
    W = jax.random.uniform(k3, (D_IN, D_OUT), dtype=jnp.float32, minval=-scale, maxval=scale)
    b = jax.random.uniform(k4, (D_OUT,), dtype=jnp.float32, minval=-scale, maxval=scale)
    return {"x": x, "edge_index": edge_index, "W": W, "b": b}


def reference(x, edge_index, W, b):
    # SGConv: K-hop propagation with GCN normalization (self-loops added),
    # followed by a linear transform. Dropout is a no-op in eval mode.
    N = x.shape[0]
    src = edge_index[0]
    dst = edge_index[1]
    loop = jnp.arange(N, dtype=edge_index.dtype)
    src = jnp.concatenate([src, loop])
    dst = jnp.concatenate([dst, loop])
    # symmetric GCN normalization: deg computed on dst with unit edge weights
    deg = jnp.zeros((N,), dtype=x.dtype).at[dst].add(1.0)
    deg_inv_sqrt = jnp.where(deg > 0, 1.0 / jnp.sqrt(deg), 0.0)
    norm = deg_inv_sqrt[src] * deg_inv_sqrt[dst]
    h = x
    for _ in range(K_HOPS):
        msg = norm[:, None] * h[src]
        h = jnp.zeros_like(h).at[dst].add(msg)
    out = h @ W + b
    return out

if __name__ == "__main__":
    import jax
    _d = setup_inputs()
    print(jax.jit(kernel)(*tuple(_d.values())))

</pallas_src>

<mosaic_0001>
#map = affine_map<(d0, d1) -> (0, 0)>
#map1 = affine_map<(d0, d1) -> (0, 0, 0)>
module attributes {stable_mosaic.version = 14 : i64} {
  func.func @_hop_kernel(%arg0: i32, %arg1: i32, %arg2: memref<10240x128xf32, #tpu.memory_space<hbm>>, %arg3: memref<2560x2x128xi32, #tpu.memory_space<hbm>>, %arg4: memref<2x10240x128xf32, #tpu.memory_space<hbm>>, %arg5: memref<2x128xi32, #tpu.memory_space<vmem>>, %arg6: memref<2x128xi32, #tpu.memory_space<vmem>>, %arg7: memref<128x128xf32, #tpu.memory_space<vmem>>, %arg8: memref<128x128xf32, #tpu.memory_space<vmem>>, %arg9: memref<10240x128xf32, #tpu.memory_space<vmem_shared>>, %arg10: memref<!tpu.dma_semaphore, #tpu.memory_space<semaphore_mem>>, %arg11: memref<!tpu.dma_semaphore, #tpu.memory_space<semaphore_mem>>) attributes {dimension_semantics = [#tpu.dimension_semantics<core_parallel>, #tpu.dimension_semantics<subcore_parallel>], iteration_bounds = array<i64: 2, 16>, scalar_prefetch = 0 : i64, scratch_operands = 7 : i64, tpu.core_type = #tpu.core_type<sc_vector_subcore>, window_params = [{transform_indices = #map}, {transform_indices = #map1}, {transform_indices = #map1}]} {
    %mul3A = arith.constant 16 : i32
    %mul3A_0 = arith.muli %arg0, %mul3A : i32
    %add3A = arith.addi %mul3A_0, %arg1 : i32
    %mul3A_1 = arith.constant 80 : i32
    %mul3A_2 = arith.muli %add3A, %mul3A_1 : i32
    %broadcast_in_dim3A = arith.constant 0.000000e+00 : f32
    %broadcast_in_dim3A_3 = vector.broadcast %broadcast_in_dim3A : f32 to vector<16xf32>
    "tpu.trace_start"() <{level = 10 : i32, message = "hop_zerofill"}> : () -> ()
    %scan3A = arith.constant 0 : i32
    %scan3A_4 = arith.constant 0 : i32
    %scan3A_5 = arith.constant 128 : i32
    %scan3A_6 = arith.addi %scan3A_4, %scan3A_5 : i32
    %scan3A_7 = arith.constant 1 : i32
    %scan3A_8 = scf.for %scan3A_36 = %scan3A_4 to %scan3A_6 step %scan3A_7 iter_args(%scan3A_37 = %scan3A) -> (i32)  : i32 {
      %scan3A_38 = arith.constant 0 : i32
      %scan3A_39 = arith.constant 0 : i32
      %scan3A_40 = arith.constant 8 : i32
      %scan3A_41 = arith.addi %scan3A_39, %scan3A_40 : i32
      %scan3A_42 = arith.constant 1 : i32
      %scan3A_43 = scf.for %scan3A_46 = %scan3A_39 to %scan3A_41 step %scan3A_42 iter_args(%scan3A_47 = %scan3A_38) -> (i32)  : i32 {
        %mul3A_48 = arith.constant 16 : i32
        %mul3A_49 = arith.muli %scan3A_46, %mul3A_48 : i32
        %swap3A = arith.index_cast %scan3A_36 : i32 to index
        %swap3A_50 = arith.index_cast %mul3A_49 : i32 to index
        %swap3A_51 = tpu.vector_load %arg7[%swap3A, %swap3A_50] {strides = array<i32>} : memref<128x128xf32, #tpu.memory_space<vmem>>, vector<1x16xf32>,
        %swap3A_52 = vector.shape_cast %swap3A_51 : vector<1x16xf32> to vector<16xf32>
        %swap3A_53 = vector.shape_cast %broadcast_in_dim3A_3 : vector<16xf32> to vector<1x16xf32>
        tpu.vector_store %arg7[%swap3A, %swap3A_50], %swap3A_53 {strides = array<i32>} : memref<128x128xf32, #tpu.memory_space<vmem>>, vector<1x16xf32>,
        %scan3A_54 = arith.constant 0 : i32
        scf.yield %scan3A_54 : i32
      }
      %scan3A_44 = arith.constant 8 : i32
      %scan3A_45 = arith.constant 0 : i32
      scf.yield %scan3A_45 : i32
    }
    %scan3A_9 = arith.constant 128 : i32
    "tpu.trace_stop"() : () -> ()
    %mul3A_10 = arith.constant 640 : i32
    %mul3A_11 = arith.muli %arg1, %mul3A_10 : i32
    "tpu.trace_start"() <{level = 10 : i32, message = "hop_zeroacc"}> : () -> ()
    %add3A_12 = arith.constant 0 : i32
    %add3A_13 = arith.addi %mul3A_11, %add3A_12 : i32
    "tpu.region"() ({
      %run_scoped3A = tpu.sem_alloc : memref<!tpu.dma_semaphore, #tpu.memory_space<semaphore_mem>>
      %dma_start3A_36 = arith.constant 0 : i32
      %dma_start3A_37 = tpu.memref_slice %arg9[%add3A_13, %dma_start3A_36] : memref<10240x128xf32, #tpu.memory_space<vmem_shared>> -> memref<128x128xf32, #tpu.memory_space<vmem_shared>>
      %dma_start3A_38 = arith.constant 0 : i32
      %dma_start3A_39 = tpu.memref_slice %arg9[%add3A_13, %dma_start3A_38] : memref<10240x128xf32, #tpu.memory_space<vmem_shared>> -> memref<128x128xf32, #tpu.memory_space<vmem_shared>>
      tpu.enqueue_dma source(%arg7 : memref<128x128xf32, #tpu.memory_space<vmem>>) target(%dma_start3A_39 : memref<128x128xf32, #tpu.memory_space<vmem_shared>>) target_semaphore(%run_scoped3A : memref<!tpu.dma_semaphore, #tpu.memory_space<semaphore_mem>>)
      %dma_wait3A = arith.constant 0 : i32
      %dma_wait3A_40 = tpu.memref_slice %arg9[%add3A_13, %dma_wait3A] : memref<10240x128xf32, #tpu.memory_space<vmem_shared>> -> memref<128x128xf32, #tpu.memory_space<vmem_shared>>
      %dma_wait3A_41 = arith.constant 0 : i32
      %dma_wait3A_42 = tpu.memref_slice %arg9[%add3A_13, %dma_wait3A_41] : memref<10240x128xf32, #tpu.memory_space<vmem_shared>> -> memref<128x128xf32, #tpu.memory_space<vmem_shared>>
      tpu.wait_dma2 semaphore(%run_scoped3A : memref<!tpu.dma_semaphore, #tpu.memory_space<semaphore_mem>>) src(%arg7 : memref<128x128xf32, #tpu.memory_space<vmem>>) dst(%dma_wait3A_42 : memref<128x128xf32, #tpu.memory_space<vmem_shared>>)
      tpu.yield
    }) : () -> ()
    %add3A_14 = arith.constant 128 : i32
    %add3A_15 = arith.addi %mul3A_11, %add3A_14 : i32
    "tpu.region"() ({
      %run_scoped3A = tpu.sem_alloc : memref<!tpu.dma_semaphore, #tpu.memory_space<semaphore_mem>>
      %dma_start3A_36 = arith.constant 0 : i32
      %dma_start3A_37 = tpu.memref_slice %arg9[%add3A_15, %dma_start3A_36] : memref<10240x128xf32, #tpu.memory_space<vmem_shared>> -> memref<128x128xf32, #tpu.memory_space<vmem_shared>>
      %dma_start3A_38 = arith.constant 0 : i32
      %dma_start3A_39 = tpu.memref_slice %arg9[%add3A_15, %dma_start3A_38] : memref<10240x128xf32, #tpu.memory_space<vmem_shared>> -> memref<128x128xf32, #tpu.memory_space<vmem_shared>>
      tpu.enqueue_dma source(%arg7 : memref<128x128xf32, #tpu.memory_space<vmem>>) target(%dma_start3A_39 : memref<128x128xf32, #tpu.memory_space<vmem_shared>>) target_semaphore(%run_scoped3A : memref<!tpu.dma_semaphore, #tpu.memory_space<semaphore_mem>>)
      %dma_wait3A = arith.constant 0 : i32
      %dma_wait3A_40 = tpu.memref_slice %arg9[%add3A_15, %dma_wait3A] : memref<10240x128xf32, #tpu.memory_space<vmem_shared>> -> memref<128x128xf32, #tpu.memory_space<vmem_shared>>
      %dma_wait3A_41 = arith.constant 0 : i32
      %dma_wait3A_42 = tpu.memref_slice %arg9[%add3A_15, %dma_wait3A_41] : memref<10240x128xf32, #tpu.memory_space<vmem_shared>> -> memref<128x128xf32, #tpu.memory_space<vmem_shared>>
      tpu.wait_dma2 semaphore(%run_scoped3A : memref<!tpu.dma_semaphore, #tpu.memory_space<semaphore_mem>>) src(%arg7 : memref<128x128xf32, #tpu.memory_space<vmem>>) dst(%dma_wait3A_42 : memref<128x128xf32, #tpu.memory_space<vmem_shared>>)
      tpu.yield
    }) : () -> ()
    %add3A_16 = arith.constant 256 : i32
    %add3A_17 = arith.addi %mul3A_11, %add3A_16 : i32
    "tpu.region"() ({
      %run_scoped3A = tpu.sem_alloc : memref<!tpu.dma_semaphore, #tpu.memory_space<semaphore_mem>>
      %dma_start3A_36 = arith.constant 0 : i32
      %dma_start3A_37 = tpu.memref_slice %arg9[%add3A_17, %dma_start3A_36] : memref<10240x128xf32, #tpu.memory_space<vmem_shared>> -> memref<128x128xf32, #tpu.memory_space<vmem_shared>>
      %dma_start3A_38 = arith.constant 0 : i32
      %dma_start3A_39 = tpu.memref_slice %arg9[%add3A_17, %dma_start3A_38] : memref<10240x128xf32, #tpu.memory_space<vmem_shared>> -> memref<128x128xf32, #tpu.memory_space<vmem_shared>>
      tpu.enqueue_dma source(%arg7 : memref<128x128xf32, #tpu.memory_space<vmem>>) target(%dma_start3A_39 : memref<128x128xf32, #tpu.memory_space<vmem_shared>>) target_semaphore(%run_scoped3A : memref<!tpu.dma_semaphore, #tpu.memory_space<semaphore_mem>>)
      %dma_wait3A = arith.constant 0 : i32
      %dma_wait3A_40 = tpu.memref_slice %arg9[%add3A_17, %dma_wait3A] : memref<10240x128xf32, #tpu.memory_space<vmem_shared>> -> memref<128x128xf32, #tpu.memory_space<vmem_shared>>
      %dma_wait3A_41 = arith.constant 0 : i32
      %dma_wait3A_42 = tpu.memref_slice %arg9[%add3A_17, %dma_wait3A_41] : memref<10240x128xf32, #tpu.memory_space<vmem_shared>> -> memref<128x128xf32, #tpu.memory_space<vmem_shared>>
      tpu.wait_dma2 semaphore(%run_scoped3A : memref<!tpu.dma_semaphore, #tpu.memory_space<semaphore_mem>>) src(%arg7 : memref<128x128xf32, #tpu.memory_space<vmem>>) dst(%dma_wait3A_42 : memref<128x128xf32, #tpu.memory_space<vmem_shared>>)
      tpu.yield
    }) : () -> ()
    %add3A_18 = arith.constant 384 : i32
    %add3A_19 = arith.addi %mul3A_11, %add3A_18 : i32
    "tpu.region"() ({
      %run_scoped3A = tpu.sem_alloc : memref<!tpu.dma_semaphore, #tpu.memory_space<semaphore_mem>>
      %dma_start3A_36 = arith.constant 0 : i32
      %dma_start3A_37 = tpu.memref_slice %arg9[%add3A_19, %dma_start3A_36] : memref<10240x128xf32, #tpu.memory_space<vmem_shared>> -> memref<128x128xf32, #tpu.memory_space<vmem_shared>>
      %dma_start3A_38 = arith.constant 0 : i32
      %dma_start3A_39 = tpu.memref_slice %arg9[%add3A_19, %dma_start3A_38] : memref<10240x128xf32, #tpu.memory_space<vmem_shared>> -> memref<128x128xf32, #tpu.memory_space<vmem_shared>>
      tpu.enqueue_dma source(%arg7 : memref<128x128xf32, #tpu.memory_space<vmem>>) target(%dma_start3A_39 : memref<128x128xf32, #tpu.memory_space<vmem_shared>>) target_semaphore(%run_scoped3A : memref<!tpu.dma_semaphore, #tpu.memory_space<semaphore_mem>>)
      %dma_wait3A = arith.constant 0 : i32
      %dma_wait3A_40 = tpu.memref_slice %arg9[%add3A_19, %dma_wait3A] : memref<10240x128xf32, #tpu.memory_space<vmem_shared>> -> memref<128x128xf32, #tpu.memory_space<vmem_shared>>
      %dma_wait3A_41 = arith.constant 0 : i32
      %dma_wait3A_42 = tpu.memref_slice %arg9[%add3A_19, %dma_wait3A_41] : memref<10240x128xf32, #tpu.memory_space<vmem_shared>> -> memref<128x128xf32, #tpu.memory_space<vmem_shared>>
      tpu.wait_dma2 semaphore(%run_scoped3A : memref<!tpu.dma_semaphore, #tpu.memory_space<semaphore_mem>>) src(%arg7 : memref<128x128xf32, #tpu.memory_space<vmem>>) dst(%dma_wait3A_42 : memref<128x128xf32, #tpu.memory_space<vmem_shared>>)
      tpu.yield
    }) : () -> ()
    %add3A_20 = arith.constant 512 : i32
    %add3A_21 = arith.addi %mul3A_11, %add3A_20 : i32
    "tpu.region"() ({
      %run_scoped3A = tpu.sem_alloc : memref<!tpu.dma_semaphore, #tpu.memory_space<semaphore_mem>>
      %dma_start3A_36 = arith.constant 0 : i32
      %dma_start3A_37 = tpu.memref_slice %arg9[%add3A_21, %dma_start3A_36] : memref<10240x128xf32, #tpu.memory_space<vmem_shared>> -> memref<128x128xf32, #tpu.memory_space<vmem_shared>>
      %dma_start3A_38 = arith.constant 0 : i32
      %dma_start3A_39 = tpu.memref_slice %arg9[%add3A_21, %dma_start3A_38] : memref<10240x128xf32, #tpu.memory_space<vmem_shared>> -> memref<128x128xf32, #tpu.memory_space<vmem_shared>>
      tpu.enqueue_dma source(%arg7 : memref<128x128xf32, #tpu.memory_space<vmem>>) target(%dma_start3A_39 : memref<128x128xf32, #tpu.memory_space<vmem_shared>>) target_semaphore(%run_scoped3A : memref<!tpu.dma_semaphore, #tpu.memory_space<semaphore_mem>>)
      %dma_wait3A = arith.constant 0 : i32
      %dma_wait3A_40 = tpu.memref_slice %arg9[%add3A_21, %dma_wait3A] : memref<10240x128xf32, #tpu.memory_space<vmem_shared>> -> memref<128x128xf32, #tpu.memory_space<vmem_shared>>
      %dma_wait3A_41 = arith.constant 0 : i32
      %dma_wait3A_42 = tpu.memref_slice %arg9[%add3A_21, %dma_wait3A_41] : memref<10240x128xf32, #tpu.memory_space<vmem_shared>> -> memref<128x128xf32, #tpu.memory_space<vmem_shared>>
      tpu.wait_dma2 semaphore(%run_scoped3A : memref<!tpu.dma_semaphore, #tpu.memory_space<semaphore_mem>>) src(%arg7 : memref<128x128xf32, #tpu.memory_space<vmem>>) dst(%dma_wait3A_42 : memref<128x128xf32, #tpu.memory_space<vmem_shared>>)
      tpu.yield
    }) : () -> ()
    %barrier3A = arith.constant 0 : index
    tpu.barrier barrier_id(%barrier3A)
    "tpu.trace_stop"() : () -> ()
    "tpu.trace_start"() <{level = 10 : i32, message = "hop_edges"}> : () -> ()
    "tpu.region"() ({
      %run_scoped3A = tpu.sem_alloc : memref<!tpu.dma_semaphore, #tpu.memory_space<semaphore_mem>>
      %dma_start3A_36 = arith.constant 0 : i32
      %dma_start3A_37 = arith.constant 0 : i32
      %dma_start3A_38 = tpu.memref_slice %arg3[%mul3A_2, %dma_start3A_36, %dma_start3A_37] : memref<2560x2x128xi32, #tpu.memory_space<hbm>> -> memref<1x2x128xi32, #tpu.memory_space<hbm>>
      %dma_start3A_39 = tpu.memref_squeeze %dma_start3A_38 : memref<1x2x128xi32, #tpu.memory_space<hbm>> -> memref<2x128xi32, #tpu.memory_space<hbm>>
      %dma_start3A_40 = arith.constant 0 : i32
      %dma_start3A_41 = arith.constant 0 : i32
      %dma_start3A_42 = tpu.memref_slice %arg3[%mul3A_2, %dma_start3A_40, %dma_start3A_41] : memref<2560x2x128xi32, #tpu.memory_space<hbm>> -> memref<1x2x128xi32, #tpu.memory_space<hbm>>
      %dma_start3A_43 = tpu.memref_squeeze %dma_start3A_42 : memref<1x2x128xi32, #tpu.memory_space<hbm>> -> memref<2x128xi32, #tpu.memory_space<hbm>>
      tpu.enqueue_dma source(%dma_start3A_43 : memref<2x128xi32, #tpu.memory_space<hbm>>) target(%arg5 : memref<2x128xi32, #tpu.memory_space<vmem>>) target_semaphore(%run_scoped3A : memref<!tpu.dma_semaphore, #tpu.memory_space<semaphore_mem>>)
      %dma_wait3A = arith.constant 0 : i32
      %dma_wait3A_44 = arith.constant 0 : i32
      %dma_wait3A_45 = tpu.memref_slice %arg3[%mul3A_2, %dma_wait3A, %dma_wait3A_44] : memref<2560x2x128xi32, #tpu.memory_space<hbm>> -> memref<1x2x128xi32, #tpu.memory_space<hbm>>
      %dma_wait3A_46 = tpu.memref_squeeze %dma_wait3A_45 : memref<1x2x128xi32, #tpu.memory_space<hbm>> -> memref<2x128xi32, #tpu.memory_space<hbm>>
      %dma_wait3A_47 = arith.constant 0 : i32
      %dma_wait3A_48 = arith.constant 0 : i32
      %dma_wait3A_49 = tpu.memref_slice %arg3[%mul3A_2, %dma_wait3A_47, %dma_wait3A_48] : memref<2560x2x128xi32, #tpu.memory_space<hbm>> -> memref<1x2x128xi32, #tpu.memory_space<hbm>>
      %dma_wait3A_50 = tpu.memref_squeeze %dma_wait3A_49 : memref<1x2x128xi32, #tpu.memory_space<hbm>> -> memref<2x128xi32, #tpu.memory_space<hbm>>
      tpu.wait_dma2 semaphore(%run_scoped3A : memref<!tpu.dma_semaphore, #tpu.memory_space<semaphore_mem>>) src(%dma_wait3A_50 : memref<2x128xi32, #tpu.memory_space<hbm>>) dst(%arg5 : memref<2x128xi32, #tpu.memory_space<vmem>>)
      tpu.yield
    }) : () -> ()
    %dma_start3A = arith.constant 0 : i32
    %dma_start3A_22 = arith.constant 0 : i32
    %dma_start3A_23 = tpu.memref_slice %arg5[%dma_start3A, %dma_start3A_22] : memref<2x128xi32, #tpu.memory_space<vmem>> -> memref<1x128xi32, #tpu.memory_space<vmem>>
    %dma_start3A_24 = tpu.memref_squeeze %dma_start3A_23 : memref<1x128xi32, #tpu.memory_space<vmem>> -> memref<128xi32, #tpu.memory_space<vmem>>
    %dma_start3A_25 = arith.constant 0 : i32
    %dma_start3A_26 = arith.constant 0 : i32
    %dma_start3A_27 = tpu.memref_slice %arg2[%dma_start3A_25, %dma_start3A_26] : memref<10240x128xf32, #tpu.memory_space<hbm>> -> memref<10240x128xf32, #tpu.memory_space<hbm>>
    tpu.enqueue_indirect_dma source(%dma_start3A_27 : memref<10240x128xf32, #tpu.memory_space<hbm>>) target(%arg7 : memref<128x128xf32, #tpu.memory_space<vmem>>) offsets(%dma_start3A_24 : memref<128xi32, #tpu.memory_space<vmem>>) semaphore(%arg10 : memref<!tpu.dma_semaphore, #tpu.memory_space<semaphore_mem>>)
    %scan3A_28 = arith.constant 0 : i32
    %scan3A_29 = arith.constant 0 : i32
    %scan3A_30 = arith.constant 40 : i32
    %scan3A_31 = arith.addi %scan3A_29, %scan3A_30 : i32
    %scan3A_32 = arith.constant 1 : i32
    %scan3A_33 = scf.for %scan3A_36 = %scan3A_29 to %scan3A_31 step %scan3A_32 iter_args(%scan3A_37 = %scan3A_28) -> (i32)  : i32 {
      %mul3A_38 = arith.constant 2 : i32
      %mul3A_39 = arith.muli %mul3A_38, %scan3A_36 : i32
      %add3A_40 = arith.constant 1 : i32
      %add3A_41 = arith.addi %mul3A_39, %add3A_40 : i32
      %mul3A_42 = arith.constant 2 : i32
      %mul3A_43 = arith.muli %mul3A_42, %scan3A_36 : i32
      %add3A_44 = arith.constant 2 : i32
      %add3A_45 = arith.addi %mul3A_43, %add3A_44 : i32
      %add3A_46 = arith.addi %mul3A_2, %add3A_41 : i32
      "tpu.region"() ({
        %run_scoped3A_76 = tpu.sem_alloc : memref<!tpu.dma_semaphore, #tpu.memory_space<semaphore_mem>>
        %dma_start3A_77 = arith.constant 0 : i32
        %dma_start3A_78 = arith.constant 0 : i32
        %dma_start3A_79 = tpu.memref_slice %arg3[%add3A_46, %dma_start3A_77, %dma_start3A_78] : memref<2560x2x128xi32, #tpu.memory_space<hbm>> -> memref<1x2x128xi32, #tpu.memory_space<hbm>>
        %dma_start3A_80 = tpu.memref_squeeze %dma_start3A_79 : memref<1x2x128xi32, #tpu.memory_space<hbm>> -> memref<2x128xi32, #tpu.memory_space<hbm>>
        %dma_start3A_81 = arith.constant 0 : i32
        %dma_start3A_82 = arith.constant 0 : i32
        %dma_start3A_83 = tpu.memref_slice %arg3[%add3A_46, %dma_start3A_81, %dma_start3A_82] : memref<2560x2x128xi32, #tpu.memory_space<hbm>> -> memref<1x2x128xi32, #tpu.memory_space<hbm>>
        %dma_start3A_84 = tpu.memref_squeeze %dma_start3A_83 : memref<1x2x128xi32, #tpu.memory_space<hbm>> -> memref<2x128xi32, #tpu.memory_space<hbm>>
        tpu.enqueue_dma source(%dma_start3A_84 : memref<2x128xi32, #tpu.memory_space<hbm>>) target(%arg6 : memref<2x128xi32, #tpu.memory_space<vmem>>) target_semaphore(%run_scoped3A_76 : memref<!tpu.dma_semaphore, #tpu.memory_space<semaphore_mem>>)
        %dma_wait3A_85 = arith.constant 0 : i32
        %dma_wait3A_86 = arith.constant 0 : i32
        %dma_wait3A_87 = tpu.memref_slice %arg3[%add3A_46, %dma_wait3A_85, %dma_wait3A_86] : memref<2560x2x128xi32, #tpu.memory_space<hbm>> -> memref<1x2x128xi32, #tpu.memory_space<hbm>>
        %dma_wait3A_88 = tpu.memref_squeeze %dma_wait3A_87 : memref<1x2x128xi32, #tpu.memory_space<hbm>> -> memref<2x128xi32, #tpu.memory_space<hbm>>
        %dma_wait3A_89 = arith.constant 0 : i32
        %dma_wait3A_90 = arith.constant 0 : i32
        %dma_wait3A_91 = tpu.memref_slice %arg3[%add3A_46, %dma_wait3A_89, %dma_wait3A_90] : memref<2560x2x128xi32, #tpu.memory_space<hbm>> -> memref<1x2x128xi32, #tpu.memory_space<hbm>>
        %dma_wait3A_92 = tpu.memref_squeeze %dma_wait3A_91 : memref<1x2x128xi32, #tpu.memory_space<hbm>> -> memref<2x128xi32, #tpu.memory_space<hbm>>
        tpu.wait_dma2 semaphore(%run_scoped3A_76 : memref<!tpu.dma_semaphore, #tpu.memory_space<semaphore_mem>>) src(%dma_wait3A_92 : memref<2x128xi32, #tpu.memory_space<hbm>>) dst(%arg6 : memref<2x128xi32, #tpu.memory_space<vmem>>)
        tpu.yield
      }) : () -> ()
      %dma_wait3A = arith.constant 0 : i32
      %dma_wait3A_47 = arith.constant 0 : i32
      %dma_wait3A_48 = tpu.memref_slice %arg5[%dma_wait3A, %dma_wait3A_47] : memref<2x128xi32, #tpu.memory_space<vmem>> -> memref<1x128xi32, #tpu.memory_space<vmem>>
      %dma_wait3A_49 = tpu.memref_squeeze %dma_wait3A_48 : memref<1x128xi32, #tpu.memory_space<vmem>> -> memref<128xi32, #tpu.memory_space<vmem>>
      %dma_wait3A_50 = arith.constant 0 : i32
      %dma_wait3A_51 = arith.constant 0 : i32
      %dma_wait3A_52 = tpu.memref_slice %arg2[%dma_wait3A_50, %dma_wait3A_51] : memref<10240x128xf32, #tpu.memory_space<hbm>> -> memref<10240x128xf32, #tpu.memory_space<hbm>>
      tpu.wait_indirect_dma semaphore(%arg10 : memref<!tpu.dma_semaphore, #tpu.memory_space<semaphore_mem>>) src(%dma_wait3A_52 : memref<10240x128xf32, #tpu.memory_space<hbm>>) dst(%arg7 : memref<128x128xf32, #tpu.memory_space<vmem>>)
      %dma_start3A_53 = arith.constant 0 : i32
      %dma_start3A_54 = arith.constant 0 : i32
      %dma_start3A_55 = tpu.memref_slice %arg6[%dma_start3A_53, %dma_start3A_54] : memref<2x128xi32, #tpu.memory_space<vmem>> -> memref<1x128xi32, #tpu.memory_space<vmem>>
      %dma_start3A_56 = tpu.memref_squeeze %dma_start3A_55 : memref<1x128xi32, #tpu.memory_space<vmem>> -> memref<128xi32, #tpu.memory_space<vmem>>
      %dma_start3A_57 = arith.constant 0 : i32
      %dma_start3A_58 = arith.constant 0 : i32
      %dma_start3A_59 = tpu.memref_slice %arg2[%dma_start3A_57, %dma_start3A_58] : memref<10240x128xf32, #tpu.memory_space<hbm>> -> memref<10240x128xf32, #tpu.memory_space<hbm>>
      tpu.enqueue_indirect_dma source(%dma_start3A_59 : memref<10240x128xf32, #tpu.memory_space<hbm>>) target(%arg8 : memref<128x128xf32, #tpu.memory_space<vmem>>) offsets(%dma_start3A_56 : memref<128xi32, #tpu.memory_space<vmem>>) semaphore(%arg11 : memref<!tpu.dma_semaphore, #tpu.memory_space<semaphore_mem>>)
      %run_scoped3A = arith.constant 1 : i32
      "tpu.region"() ({
        %run_scoped3A_76 = tpu.sem_alloc : memref<!tpu.dma_semaphore, #tpu.memory_space<semaphore_mem>>
        %dma_start3A_77 = arith.constant 0 : i32
        %dma_start3A_78 = tpu.memref_slice %arg5[%run_scoped3A, %dma_start3A_77] : memref<2x128xi32, #tpu.memory_space<vmem>> -> memref<1x128xi32, #tpu.memory_space<vmem>>
        %dma_start3A_79 = tpu.memref_squeeze %dma_start3A_78 : memref<1x128xi32, #tpu.memory_space<vmem>> -> memref<128xi32, #tpu.memory_space<vmem>>
        %dma_start3A_80 = arith.constant 0 : i32
        %dma_start3A_81 = arith.constant 0 : i32
        %dma_start3A_82 = tpu.memref_slice %arg9[%dma_start3A_80, %dma_start3A_81] : memref<10240x128xf32, #tpu.memory_space<vmem_shared>> -> memref<10240x128xf32, #tpu.memory_space<vmem_shared>>
        tpu.enqueue_indirect_dma source(%arg7 : memref<128x128xf32, #tpu.memory_space<vmem>>) target(%dma_start3A_82 : memref<10240x128xf32, #tpu.memory_space<vmem_shared>>) offsets(%dma_start3A_79 : memref<128xi32, #tpu.memory_space<vmem>>) semaphore(%run_scoped3A_76 : memref<!tpu.dma_semaphore, #tpu.memory_space<semaphore_mem>>) {add = true}
        %dma_wait3A_83 = arith.constant 0 : i32
        %dma_wait3A_84 = tpu.memref_slice %arg5[%run_scoped3A, %dma_wait3A_83] : memref<2x128xi32, #tpu.memory_space<vmem>> -> memref<1x128xi32, #tpu.memory_space<vmem>>
        %dma_wait3A_85 = tpu.memref_squeeze %dma_wait3A_84 : memref<1x128xi32, #tpu.memory_space<vmem>> -> memref<128xi32, #tpu.memory_space<vmem>>
        %dma_wait3A_86 = arith.constant 0 : i32
        %dma_wait3A_87 = arith.constant 0 : i32
        %dma_wait3A_88 = tpu.memref_slice %arg9[%dma_wait3A_86, %dma_wait3A_87] : memref<10240x128xf32, #tpu.memory_space<vmem_shared>> -> memref<10240x128xf32, #tpu.memory_space<vmem_shared>>
        tpu.wait_indirect_dma semaphore(%run_scoped3A_76 : memref<!tpu.dma_semaphore, #tpu.memory_space<semaphore_mem>>) src(%arg7 : memref<128x128xf32, #tpu.memory_space<vmem>>) dst(%dma_wait3A_88 : memref<10240x128xf32, #tpu.memory_space<vmem_shared>>)
        tpu.yield
      }) : () -> ()
      %lt3A = arith.constant 80 : i32
      %lt3A_60 = arith.cmpi slt, %add3A_45, %lt3A : i32
      %convert_element_type3A = arith.extui %lt3A_60 : i1 to i32
      %cond3A = arith.constant 0 : i32
      %cond3A_61 = arith.cmpi ne, %convert_element_type3A, %cond3A : i32
      scf.if %cond3A_61 {
        %add3A_76 = arith.addi %mul3A_2, %add3A_45 : i32
        "tpu.region"() ({
          %run_scoped3A_77 = tpu.sem_alloc : memref<!tpu.dma_semaphore, #tpu.memory_space<semaphore_mem>>
          %dma_start3A_78 = arith.constant 0 : i32
          %dma_start3A_79 = arith.constant 0 : i32
          %dma_start3A_80 = tpu.memref_slice %arg3[%add3A_76, %dma_start3A_78, %dma_start3A_79] : memref<2560x2x128xi32, #tpu.memory_space<hbm>> -> memref<1x2x128xi32, #tpu.memory_space<hbm>>
          %dma_start3A_81 = tpu.memref_squeeze %dma_start3A_80 : memref<1x2x128xi32, #tpu.memory_space<hbm>> -> memref<2x128xi32, #tpu.memory_space<hbm>>
          %dma_start3A_82 = arith.constant 0 : i32
          %dma_start3A_83 = arith.constant 0 : i32
          %dma_start3A_84 = tpu.memref_slice %arg3[%add3A_76, %dma_start3A_82, %dma_start3A_83] : memref<2560x2x128xi32, #tpu.memory_space<hbm>> -> memref<1x2x128xi32, #tpu.memory_space<hbm>>
          %dma_start3A_85 = tpu.memref_squeeze %dma_start3A_84 : memref<1x2x128xi32, #tpu.memory_space<hbm>> -> memref<2x128xi32, #tpu.memory_space<hbm>>
          tpu.enqueue_dma source(%dma_start3A_85 : memref<2x128xi32, #tpu.memory_space<hbm>>) target(%arg5 : memref<2x128xi32, #tpu.memory_space<vmem>>) target_semaphore(%run_scoped3A_77 : memref<!tpu.dma_semaphore, #tpu.memory_space<semaphore_mem>>)
          %dma_wait3A_86 = arith.constant 0 : i32
          %dma_wait3A_87 = arith.constant 0 : i32
          %dma_wait3A_88 = tpu.memref_slice %arg3[%add3A_76, %dma_wait3A_86, %dma_wait3A_87] : memref<2560x2x128xi32, #tpu.memory_space<hbm>> -> memref<1x2x128xi32, #tpu.memory_space<hbm>>
          %dma_wait3A_89 = tpu.memref_squeeze %dma_wait3A_88 : memref<1x2x128xi32, #tpu.memory_space<hbm>> -> memref<2x128xi32, #tpu.memory_space<hbm>>
          %dma_wait3A_90 = arith.constant 0 : i32
          %dma_wait3A_91 = arith.constant 0 : i32
          %dma_wait3A_92 = tpu.memref_slice %arg3[%add3A_76, %dma_wait3A_90, %dma_wait3A_91] : memref<2560x2x128xi32, #tpu.memory_space<hbm>> -> memref<1x2x128xi32, #tpu.memory_space<hbm>>
          %dma_wait3A_93 = tpu.memref_squeeze %dma_wait3A_92 : memref<1x2x128xi32, #tpu.memory_space<hbm>> -> memref<2x128xi32, #tpu.memory_space<hbm>>
          tpu.wait_dma2 semaphore(%run_scoped3A_77 : memref<!tpu.dma_semaphore, #tpu.memory_space<semaphore_mem>>) src(%dma_wait3A_93 : memref<2x128xi32, #tpu.memory_space<hbm>>) dst(%arg5 : memref<2x128xi32, #tpu.memory_space<vmem>>)
          tpu.yield
        }) : () -> ()
      } else {
      }
      %dma_wait3A_62 = arith.constant 0 : i32
      %dma_wait3A_63 = arith.constant 0 : i32
      %dma_wait3A_64 = tpu.memref_slice %arg6[%dma_wait3A_62, %dma_wait3A_63] : memref<2x128xi32, #tpu.memory_space<vmem>> -> memref<1x128xi32, #tpu.memory_space<vmem>>
      %dma_wait3A_65 = tpu.memref_squeeze %dma_wait3A_64 : memref<1x128xi32, #tpu.memory_space<vmem>> -> memref<128xi32, #tpu.memory_space<vmem>>
      %dma_wait3A_66 = arith.constant 0 : i32
      %dma_wait3A_67 = arith.constant 0 : i32
      %dma_wait3A_68 = tpu.memref_slice %arg2[%dma_wait3A_66, %dma_wait3A_67] : memref<10240x128xf32, #tpu.memory_space<hbm>> -> memref<10240x128xf32, #tpu.memory_space<hbm>>
      tpu.wait_indirect_dma semaphore(%arg11 : memref<!tpu.dma_semaphore, #tpu.memory_space<semaphore_mem>>) src(%dma_wait3A_68 : memref<10240x128xf32, #tpu.memory_space<hbm>>) dst(%arg8 : memref<128x128xf32, #tpu.memory_space<vmem>>)
      %lt3A_69 = arith.constant 80 : i32
      %lt3A_70 = arith.cmpi slt, %add3A_45, %lt3A_69 : i32
      %convert_element_type3A_71 = arith.extui %lt3A_70 : i1 to i32
      %cond3A_72 = arith.constant 0 : i32
      %cond3A_73 = arith.cmpi ne, %convert_element_type3A_71, %cond3A_72 : i32
      scf.if %cond3A_73 {
        %dma_start3A_76 = arith.constant 0 : i32
        %dma_start3A_77 = arith.constant 0 : i32
        %dma_start3A_78 = tpu.memref_slice %arg5[%dma_start3A_76, %dma_start3A_77] : memref<2x128xi32, #tpu.memory_space<vmem>> -> memref<1x128xi32, #tpu.memory_space<vmem>>
        %dma_start3A_79 = tpu.memref_squeeze %dma_start3A_78 : memref<1x128xi32, #tpu.memory_space<vmem>> -> memref<128xi32, #tpu.memory_space<vmem>>
        %dma_start3A_80 = arith.constant 0 : i32
        %dma_start3A_81 = arith.constant 0 : i32
        %dma_start3A_82 = tpu.memref_slice %arg2[%dma_start3A_80, %dma_start3A_81] : memref<10240x128xf32, #tpu.memory_space<hbm>> -> memref<10240x128xf32, #tpu.memory_space<hbm>>
        tpu.enqueue_indirect_dma source(%dma_start3A_82 : memref<10240x128xf32, #tpu.memory_space<hbm>>) target(%arg7 : memref<128x128xf32, #tpu.memory_space<vmem>>) offsets(%dma_start3A_79 : memref<128xi32, #tpu.memory_space<vmem>>) semaphore(%arg10 : memref<!tpu.dma_semaphore, #tpu.memory_space<semaphore_mem>>)
      } else {
      }
      %run_scoped3A_74 = arith.constant 1 : i32
      "tpu.region"() ({
        %run_scoped3A_76 = tpu.sem_alloc : memref<!tpu.dma_semaphore, #tpu.memory_space<semaphore_mem>>
        %dma_start3A_77 = arith.constant 0 : i32
        %dma_start3A_78 = tpu.memref_slice %arg6[%run_scoped3A_74, %dma_start3A_77] : memref<2x128xi32, #tpu.memory_space<vmem>> -> memref<1x128xi32, #tpu.memory_space<vmem>>
        %dma_start3A_79 = tpu.memref_squeeze %dma_start3A_78 : memref<1x128xi32, #tpu.memory_space<vmem>> -> memref<128xi32, #tpu.memory_space<vmem>>
        %dma_start3A_80 = arith.constant 0 : i32
        %dma_start3A_81 = arith.constant 0 : i32
        %dma_start3A_82 = tpu.memref_slice %arg9[%dma_start3A_80, %dma_start3A_81] : memref<10240x128xf32, #tpu.memory_space<vmem_shared>> -> memref<10240x128xf32, #tpu.memory_space<vmem_shared>>
        tpu.enqueue_indirect_dma source(%arg8 : memref<128x128xf32, #tpu.memory_space<vmem>>) target(%dma_start3A_82 : memref<10240x128xf32, #tpu.memory_space<vmem_shared>>) offsets(%dma_start3A_79 : memref<128xi32, #tpu.memory_space<vmem>>) semaphore(%run_scoped3A_76 : memref<!tpu.dma_semaphore, #tpu.memory_space<semaphore_mem>>) {add = true}
        %dma_wait3A_83 = arith.constant 0 : i32
        %dma_wait3A_84 = tpu.memref_slice %arg6[%run_scoped3A_74, %dma_wait3A_83] : memref<2x128xi32, #tpu.memory_space<vmem>> -> memref<1x128xi32, #tpu.memory_space<vmem>>
        %dma_wait3A_85 = tpu.memref_squeeze %dma_wait3A_84 : memref<1x128xi32, #tpu.memory_space<vmem>> -> memref<128xi32, #tpu.memory_space<vmem>>
        %dma_wait3A_86 = arith.constant 0 : i32
        %dma_wait3A_87 = arith.constant 0 : i32
        %dma_wait3A_88 = tpu.memref_slice %arg9[%dma_wait3A_86, %dma_wait3A_87] : memref<10240x128xf32, #tpu.memory_space<vmem_shared>> -> memref<10240x128xf32, #tpu.memory_space<vmem_shared>>
        tpu.wait_indirect_dma semaphore(%run_scoped3A_76 : memref<!tpu.dma_semaphore, #tpu.memory_space<semaphore_mem>>) src(%arg8 : memref<128x128xf32, #tpu.memory_space<vmem>>) dst(%dma_wait3A_88 : memref<10240x128xf32, #tpu.memory_space<vmem_shared>>)
        tpu.yield
      }) : () -> ()
      %scan3A_75 = arith.constant 0 : i32
      scf.yield %scan3A_75 : i32
    }
    %scan3A_34 = arith.constant 40 : i32
    %barrier3A_35 = arith.constant 0 : index
    tpu.barrier barrier_id(%barrier3A_35)
    "tpu.trace_stop"() : () -> ()
    "tpu.trace_start"() <{level = 10 : i32, message = "hop_writeout"}> : () -> ()
    "tpu.region"() ({
      %run_scoped3A = tpu.sem_alloc : memref<!tpu.dma_semaphore, #tpu.memory_space<semaphore_mem>>
      %dma_start3A_36 = arith.constant 0 : i32
      %dma_start3A_37 = tpu.memref_slice %arg4[%arg0, %mul3A_11, %dma_start3A_36] : memref<2x10240x128xf32, #tpu.memory_space<hbm>> -> memref<1x640x128xf32, #tpu.memory_space<hbm>>
      %dma_start3A_38 = tpu.memref_squeeze %dma_start3A_37 : memref<1x640x128xf32, #tpu.memory_space<hbm>> -> memref<640x128xf32, #tpu.memory_space<hbm>>
      %dma_start3A_39 = arith.constant 0 : i32
      %dma_start3A_40 = tpu.memref_slice %arg9[%mul3A_11, %dma_start3A_39] : memref<10240x128xf32, #tpu.memory_space<vmem_shared>> -> memref<640x128xf32, #tpu.memory_space<vmem_shared>>
      tpu.enqueue_dma source(%dma_start3A_40 : memref<640x128xf32, #tpu.memory_space<vmem_shared>>) target(%dma_start3A_38 : memref<640x128xf32, #tpu.memory_space<hbm>>) target_semaphore(%run_scoped3A : memref<!tpu.dma_semaphore, #tpu.memory_space<semaphore_mem>>)
      %dma_wait3A = arith.constant 0 : i32
      %dma_wait3A_41 = tpu.memref_slice %arg4[%arg0, %mul3A_11, %dma_wait3A] : memref<2x10240x128xf32, #tpu.memory_space<hbm>> -> memref<1x640x128xf32, #tpu.memory_space<hbm>>
      %dma_wait3A_42 = tpu.memref_squeeze %dma_wait3A_41 : memref<1x640x128xf32, #tpu.memory_space<hbm>> -> memref<640x128xf32, #tpu.memory_space<hbm>>
      %dma_wait3A_43 = arith.constant 0 : i32
      %dma_wait3A_44 = tpu.memref_slice %arg9[%mul3A_11, %dma_wait3A_43] : memref<10240x128xf32, #tpu.memory_space<vmem_shared>> -> memref<640x128xf32, #tpu.memory_space<vmem_shared>>
      tpu.wait_dma2 semaphore(%run_scoped3A : memref<!tpu.dma_semaphore, #tpu.memory_space<semaphore_mem>>) src(%dma_wait3A_44 : memref<640x128xf32, #tpu.memory_space<vmem_shared>>) dst(%dma_wait3A_42 : memref<640x128xf32, #tpu.memory_space<hbm>>)
      tpu.yield
    }) : () -> ()
    "tpu.trace_stop"() : () -> ()
    return
  }
}

#map = affine_map<(d0, d1) -> (0, 0, 0)>
module attributes {stable_mosaic.version = 14 : i64} {
  func.func @_deg_kernel(%arg0: i32, %arg1: i32, %arg2: memref<32x80x128xi32, #tpu.memory_space<hbm>>, %arg3: memref<2x10240x16xf32, #tpu.memory_space<hbm>>, %arg4: memref<80x128xi32, #tpu.memory_space<vmem>>, %arg5: memref<128x16xf32, #tpu.memory_space<vmem>>, %arg6: memref<128x16xf32, #tpu.memory_space<vmem>>, %arg7: memref<10240x16xf32, #tpu.memory_space<vmem_shared>>) attributes {dimension_semantics = [#tpu.dimension_semantics<core_parallel>, #tpu.dimension_semantics<subcore_parallel>], iteration_bounds = array<i64: 2, 16>, scalar_prefetch = 0 : i64, scratch_operands = 4 : i64, tpu.core_type = #tpu.core_type<sc_vector_subcore>, window_params = [{transform_indices = #map}, {transform_indices = #map}]} {
    %mul3A = arith.constant 16 : i32
    %mul3A_0 = arith.muli %arg0, %mul3A : i32
    %add3A = arith.addi %mul3A_0, %arg1 : i32
    %broadcast_in_dim3A = arith.constant 1.000000e+00 : f32
    %broadcast_in_dim3A_1 = vector.broadcast %broadcast_in_dim3A : f32 to vector<16xf32>
    %broadcast_in_dim3A_2 = arith.constant 0.000000e+00 : f32
    %broadcast_in_dim3A_3 = vector.broadcast %broadcast_in_dim3A_2 : f32 to vector<16xf32>
    %scan3A = arith.constant 0 : i32
    %scan3A_4 = arith.constant 0 : i32
    %scan3A_5 = arith.constant 128 : i32
    %scan3A_6 = arith.addi %scan3A_4, %scan3A_5 : i32
    %scan3A_7 = arith.constant 1 : i32
    %scan3A_8 = scf.for %scan3A_30 = %scan3A_4 to %scan3A_6 step %scan3A_7 iter_args(%scan3A_31 = %scan3A) -> (i32)  : i32 {
      %swap3A = arith.index_cast %scan3A_30 : i32 to index
      %swap3A_32 = arith.constant 0 : index
      %swap3A_33 = tpu.vector_load %arg5[%swap3A, %swap3A_32] {strides = array<i32>} : memref<128x16xf32, #tpu.memory_space<vmem>>, vector<1x16xf32>,
      %swap3A_34 = vector.shape_cast %swap3A_33 : vector<1x16xf32> to vector<16xf32>
      %swap3A_35 = vector.shape_cast %broadcast_in_dim3A_1 : vector<16xf32> to vector<1x16xf32>
      tpu.vector_store %arg5[%swap3A, %swap3A_32], %swap3A_35 {strides = array<i32>} : memref<128x16xf32, #tpu.memory_space<vmem>>, vector<1x16xf32>,
      %swap3A_36 = arith.index_cast %scan3A_30 : i32 to index
      %swap3A_37 = arith.constant 0 : index
      %swap3A_38 = tpu.vector_load %arg6[%swap3A_36, %swap3A_37] {strides = array<i32>} : memref<128x16xf32, #tpu.memory_space<vmem>>, vector<1x16xf32>,
      %swap3A_39 = vector.shape_cast %swap3A_38 : vector<1x16xf32> to vector<16xf32>
      %swap3A_40 = vector.shape_cast %broadcast_in_dim3A_3 : vector<16xf32> to vector<1x16xf32>
      tpu.vector_store %arg6[%swap3A_36, %swap3A_37], %swap3A_40 {strides = array<i32>} : memref<128x16xf32, #tpu.memory_space<vmem>>, vector<1x16xf32>,
      %scan3A_41 = arith.constant 0 : i32
      scf.yield %scan3A_41 : i32
    }
    %scan3A_9 = arith.constant 128 : i32
    %mul3A_10 = arith.constant 640 : i32
    %mul3A_11 = arith.muli %arg1, %mul3A_10 : i32
    %add3A_12 = arith.constant 0 : i32
    %add3A_13 = arith.addi %mul3A_11, %add3A_12 : i32
    "tpu.region"() ({
      %run_scoped3A = tpu.sem_alloc : memref<!tpu.dma_semaphore, #tpu.memory_space<semaphore_mem>>
      %dma_start3A = arith.constant 0 : i32
      %dma_start3A_30 = tpu.memref_slice %arg7[%add3A_13, %dma_start3A] : memref<10240x16xf32, #tpu.memory_space<vmem_shared>> -> memref<128x16xf32, #tpu.memory_space<vmem_shared>>
      %dma_start3A_31 = arith.constant 0 : i32
      %dma_start3A_32 = tpu.memref_slice %arg7[%add3A_13, %dma_start3A_31] : memref<10240x16xf32, #tpu.memory_space<vmem_shared>> -> memref<128x16xf32, #tpu.memory_space<vmem_shared>>
      tpu.enqueue_dma source(%arg6 : memref<128x16xf32, #tpu.memory_space<vmem>>) target(%dma_start3A_32 : memref<128x16xf32, #tpu.memory_space<vmem_shared>>) target_semaphore(%run_scoped3A : memref<!tpu.dma_semaphore, #tpu.memory_space<semaphore_mem>>)
      %dma_wait3A = arith.constant 0 : i32
      %dma_wait3A_33 = tpu.memref_slice %arg7[%add3A_13, %dma_wait3A] : memref<10240x16xf32, #tpu.memory_space<vmem_shared>> -> memref<128x16xf32, #tpu.memory_space<vmem_shared>>
      %dma_wait3A_34 = arith.constant 0 : i32
      %dma_wait3A_35 = tpu.memref_slice %arg7[%add3A_13, %dma_wait3A_34] : memref<10240x16xf32, #tpu.memory_space<vmem_shared>> -> memref<128x16xf32, #tpu.memory_space<vmem_shared>>
      tpu.wait_dma2 semaphore(%run_scoped3A : memref<!tpu.dma_semaphore, #tpu.memory_space<semaphore_mem>>) src(%arg6 : memref<128x16xf32, #tpu.memory_space<vmem>>) dst(%dma_wait3A_35 : memref<128x16xf32, #tpu.memory_space<vmem_shared>>)
      tpu.yield
    }) : () -> ()
    %add3A_14 = arith.constant 128 : i32
    %add3A_15 = arith.addi %mul3A_11, %add3A_14 : i32
    "tpu.region"() ({
      %run_scoped3A = tpu.sem_alloc : memref<!tpu.dma_semaphore, #tpu.memory_space<semaphore_mem>>
      %dma_start3A = arith.constant 0 : i32
      %dma_start3A_30 = tpu.memref_slice %arg7[%add3A_15, %dma_start3A] : memref<10240x16xf32, #tpu.memory_space<vmem_shared>> -> memref<128x16xf32, #tpu.memory_space<vmem_shared>>
      %dma_start3A_31 = arith.constant 0 : i32
      %dma_start3A_32 = tpu.memref_slice %arg7[%add3A_15, %dma_start3A_31] : memref<10240x16xf32, #tpu.memory_space<vmem_shared>> -> memref<128x16xf32, #tpu.memory_space<vmem_shared>>
      tpu.enqueue_dma source(%arg6 : memref<128x16xf32, #tpu.memory_space<vmem>>) target(%dma_start3A_32 : memref<128x16xf32, #tpu.memory_space<vmem_shared>>) target_semaphore(%run_scoped3A : memref<!tpu.dma_semaphore, #tpu.memory_space<semaphore_mem>>)
      %dma_wait3A = arith.constant 0 : i32
      %dma_wait3A_33 = tpu.memref_slice %arg7[%add3A_15, %dma_wait3A] : memref<10240x16xf32, #tpu.memory_space<vmem_shared>> -> memref<128x16xf32, #tpu.memory_space<vmem_shared>>
      %dma_wait3A_34 = arith.constant 0 : i32
      %dma_wait3A_35 = tpu.memref_slice %arg7[%add3A_15, %dma_wait3A_34] : memref<10240x16xf32, #tpu.memory_space<vmem_shared>> -> memref<128x16xf32, #tpu.memory_space<vmem_shared>>
      tpu.wait_dma2 semaphore(%run_scoped3A : memref<!tpu.dma_semaphore, #tpu.memory_space<semaphore_mem>>) src(%arg6 : memref<128x16xf32, #tpu.memory_space<vmem>>) dst(%dma_wait3A_35 : memref<128x16xf32, #tpu.memory_space<vmem_shared>>)
      tpu.yield
    }) : () -> ()
    %add3A_16 = arith.constant 256 : i32
    %add3A_17 = arith.addi %mul3A_11, %add3A_16 : i32
    "tpu.region"() ({
      %run_scoped3A = tpu.sem_alloc : memref<!tpu.dma_semaphore, #tpu.memory_space<semaphore_mem>>
      %dma_start3A = arith.constant 0 : i32
      %dma_start3A_30 = tpu.memref_slice %arg7[%add3A_17, %dma_start3A] : memref<10240x16xf32, #tpu.memory_space<vmem_shared>> -> memref<128x16xf32, #tpu.memory_space<vmem_shared>>
      %dma_start3A_31 = arith.constant 0 : i32
      %dma_start3A_32 = tpu.memref_slice %arg7[%add3A_17, %dma_start3A_31] : memref<10240x16xf32, #tpu.memory_space<vmem_shared>> -> memref<128x16xf32, #tpu.memory_space<vmem_shared>>
      tpu.enqueue_dma source(%arg6 : memref<128x16xf32, #tpu.memory_space<vmem>>) target(%dma_start3A_32 : memref<128x16xf32, #tpu.memory_space<vmem_shared>>) target_semaphore(%run_scoped3A : memref<!tpu.dma_semaphore, #tpu.memory_space<semaphore_mem>>)
      %dma_wait3A = arith.constant 0 : i32
      %dma_wait3A_33 = tpu.memref_slice %arg7[%add3A_17, %dma_wait3A] : memref<10240x16xf32, #tpu.memory_space<vmem_shared>> -> memref<128x16xf32, #tpu.memory_space<vmem_shared>>
      %dma_wait3A_34 = arith.constant 0 : i32
      %dma_wait3A_35 = tpu.memref_slice %arg7[%add3A_17, %dma_wait3A_34] : memref<10240x16xf32, #tpu.memory_space<vmem_shared>> -> memref<128x16xf32, #tpu.memory_space<vmem_shared>>
      tpu.wait_dma2 semaphore(%run_scoped3A : memref<!tpu.dma_semaphore, #tpu.memory_space<semaphore_mem>>) src(%arg6 : memref<128x16xf32, #tpu.memory_space<vmem>>) dst(%dma_wait3A_35 : memref<128x16xf32, #tpu.memory_space<vmem_shared>>)
      tpu.yield
    }) : () -> ()
    %add3A_18 = arith.constant 384 : i32
    %add3A_19 = arith.addi %mul3A_11, %add3A_18 : i32
    "tpu.region"() ({
      %run_scoped3A = tpu.sem_alloc : memref<!tpu.dma_semaphore, #tpu.memory_space<semaphore_mem>>
      %dma_start3A = arith.constant 0 : i32
      %dma_start3A_30 = tpu.memref_slice %arg7[%add3A_19, %dma_start3A] : memref<10240x16xf32, #tpu.memory_space<vmem_shared>> -> memref<128x16xf32, #tpu.memory_space<vmem_shared>>
      %dma_start3A_31 = arith.constant 0 : i32
      %dma_start3A_32 = tpu.memref_slice %arg7[%add3A_19, %dma_start3A_31] : memref<10240x16xf32, #tpu.memory_space<vmem_shared>> -> memref<128x16xf32, #tpu.memory_space<vmem_shared>>
      tpu.enqueue_dma source(%arg6 : memref<128x16xf32, #tpu.memory_space<vmem>>) target(%dma_start3A_32 : memref<128x16xf32, #tpu.memory_space<vmem_shared>>) target_semaphore(%run_scoped3A : memref<!tpu.dma_semaphore, #tpu.memory_space<semaphore_mem>>)
      %dma_wait3A = arith.constant 0 : i32
      %dma_wait3A_33 = tpu.memref_slice %arg7[%add3A_19, %dma_wait3A] : memref<10240x16xf32, #tpu.memory_space<vmem_shared>> -> memref<128x16xf32, #tpu.memory_space<vmem_shared>>
      %dma_wait3A_34 = arith.constant 0 : i32
      %dma_wait3A_35 = tpu.memref_slice %arg7[%add3A_19, %dma_wait3A_34] : memref<10240x16xf32, #tpu.memory_space<vmem_shared>> -> memref<128x16xf32, #tpu.memory_space<vmem_shared>>
      tpu.wait_dma2 semaphore(%run_scoped3A : memref<!tpu.dma_semaphore, #tpu.memory_space<semaphore_mem>>) src(%arg6 : memref<128x16xf32, #tpu.memory_space<vmem>>) dst(%dma_wait3A_35 : memref<128x16xf32, #tpu.memory_space<vmem_shared>>)
      tpu.yield
    }) : () -> ()
    %add3A_20 = arith.constant 512 : i32
    %add3A_21 = arith.addi %mul3A_11, %add3A_20 : i32
    "tpu.region"() ({
      %run_scoped3A = tpu.sem_alloc : memref<!tpu.dma_semaphore, #tpu.memory_space<semaphore_mem>>
      %dma_start3A = arith.constant 0 : i32
      %dma_start3A_30 = tpu.memref_slice %arg7[%add3A_21, %dma_start3A] : memref<10240x16xf32, #tpu.memory_space<vmem_shared>> -> memref<128x16xf32, #tpu.memory_space<vmem_shared>>
      %dma_start3A_31 = arith.constant 0 : i32
      %dma_start3A_32 = tpu.memref_slice %arg7[%add3A_21, %dma_start3A_31] : memref<10240x16xf32, #tpu.memory_space<vmem_shared>> -> memref<128x16xf32, #tpu.memory_space<vmem_shared>>
      tpu.enqueue_dma source(%arg6 : memref<128x16xf32, #tpu.memory_space<vmem>>) target(%dma_start3A_32 : memref<128x16xf32, #tpu.memory_space<vmem_shared>>) target_semaphore(%run_scoped3A : memref<!tpu.dma_semaphore, #tpu.memory_space<semaphore_mem>>)
      %dma_wait3A = arith.constant 0 : i32
      %dma_wait3A_33 = tpu.memref_slice %arg7[%add3A_21, %dma_wait3A] : memref<10240x16xf32, #tpu.memory_space<vmem_shared>> -> memref<128x16xf32, #tpu.memory_space<vmem_shared>>
      %dma_wait3A_34 = arith.constant 0 : i32
      %dma_wait3A_35 = tpu.memref_slice %arg7[%add3A_21, %dma_wait3A_34] : memref<10240x16xf32, #tpu.memory_space<vmem_shared>> -> memref<128x16xf32, #tpu.memory_space<vmem_shared>>
      tpu.wait_dma2 semaphore(%run_scoped3A : memref<!tpu.dma_semaphore, #tpu.memory_space<semaphore_mem>>) src(%arg6 : memref<128x16xf32, #tpu.memory_space<vmem>>) dst(%dma_wait3A_35 : memref<128x16xf32, #tpu.memory_space<vmem_shared>>)
      tpu.yield
    }) : () -> ()
    %barrier3A = arith.constant 0 : index
    tpu.barrier barrier_id(%barrier3A)
    "tpu.region"() ({
      %run_scoped3A = tpu.sem_alloc : memref<!tpu.dma_semaphore, #tpu.memory_space<semaphore_mem>>
      %dma_start3A = arith.constant 0 : i32
      %dma_start3A_30 = arith.constant 0 : i32
      %dma_start3A_31 = tpu.memref_slice %arg2[%add3A, %dma_start3A, %dma_start3A_30] : memref<32x80x128xi32, #tpu.memory_space<hbm>> -> memref<1x80x128xi32, #tpu.memory_space<hbm>>
      %dma_start3A_32 = tpu.memref_squeeze %dma_start3A_31 : memref<1x80x128xi32, #tpu.memory_space<hbm>> -> memref<80x128xi32, #tpu.memory_space<hbm>>
      %dma_start3A_33 = arith.constant 0 : i32
      %dma_start3A_34 = arith.constant 0 : i32
      %dma_start3A_35 = tpu.memref_slice %arg2[%add3A, %dma_start3A_33, %dma_start3A_34] : memref<32x80x128xi32, #tpu.memory_space<hbm>> -> memref<1x80x128xi32, #tpu.memory_space<hbm>>
      %dma_start3A_36 = tpu.memref_squeeze %dma_start3A_35 : memref<1x80x128xi32, #tpu.memory_space<hbm>> -> memref<80x128xi32, #tpu.memory_space<hbm>>
      tpu.enqueue_dma source(%dma_start3A_36 : memref<80x128xi32, #tpu.memory_space<hbm>>) target(%arg4 : memref<80x128xi32, #tpu.memory_space<vmem>>) target_semaphore(%run_scoped3A : memref<!tpu.dma_semaphore, #tpu.memory_space<semaphore_mem>>)
      %dma_wait3A = arith.constant 0 : i32
      %dma_wait3A_37 = arith.constant 0 : i32
      %dma_wait3A_38 = tpu.memref_slice %arg2[%add3A, %dma_wait3A, %dma_wait3A_37] : memref<32x80x128xi32, #tpu.memory_space<hbm>> -> memref<1x80x128xi32, #tpu.memory_space<hbm>>
      %dma_wait3A_39 = tpu.memref_squeeze %dma_wait3A_38 : memref<1x80x128xi32, #tpu.memory_space<hbm>> -> memref<80x128xi32, #tpu.memory_space<hbm>>
      %dma_wait3A_40 = arith.constant 0 : i32
      %dma_wait3A_41 = arith.constant 0 : i32
      %dma_wait3A_42 = tpu.memref_slice %arg2[%add3A, %dma_wait3A_40, %dma_wait3A_41] : memref<32x80x128xi32, #tpu.memory_space<hbm>> -> memref<1x80x128xi32, #tpu.memory_space<hbm>>
      %dma_wait3A_43 = tpu.memref_squeeze %dma_wait3A_42 : memref<1x80x128xi32, #tpu.memory_space<hbm>> -> memref<80x128xi32, #tpu.memory_space<hbm>>
      tpu.wait_dma2 semaphore(%run_scoped3A : memref<!tpu.dma_semaphore, #tpu.memory_space<semaphore_mem>>) src(%dma_wait3A_43 : memref<80x128xi32, #tpu.memory_space<hbm>>) dst(%arg4 : memref<80x128xi32, #tpu.memory_space<vmem>>)
      tpu.yield
    }) : () -> ()
    %scan3A_22 = arith.constant 0 : i32
    %scan3A_23 = arith.constant 0 : i32
    %scan3A_24 = arith.constant 80 : i32
    %scan3A_25 = arith.addi %scan3A_23, %scan3A_24 : i32
    %scan3A_26 = arith.constant 1 : i32
    %scan3A_27 = scf.for %scan3A_30 = %scan3A_23 to %scan3A_25 step %scan3A_26 iter_args(%scan3A_31 = %scan3A_22) -> (i32)  : i32 {
      "tpu.region"() ({
        %run_scoped3A = tpu.sem_alloc : memref<!tpu.dma_semaphore, #tpu.memory_space<semaphore_mem>>
        %dma_start3A = arith.constant 0 : i32
        %dma_start3A_33 = tpu.memref_slice %arg4[%scan3A_30, %dma_start3A] : memref<80x128xi32, #tpu.memory_space<vmem>> -> memref<1x128xi32, #tpu.memory_space<vmem>>
        %dma_start3A_34 = tpu.memref_squeeze %dma_start3A_33 : memref<1x128xi32, #tpu.memory_space<vmem>> -> memref<128xi32, #tpu.memory_space<vmem>>
        %dma_start3A_35 = arith.constant 0 : i32
        %dma_start3A_36 = arith.constant 0 : i32
        %dma_start3A_37 = tpu.memref_slice %arg7[%dma_start3A_35, %dma_start3A_36] : memref<10240x16xf32, #tpu.memory_space<vmem_shared>> -> memref<10240x16xf32, #tpu.memory_space<vmem_shared>>
        tpu.enqueue_indirect_dma source(%arg5 : memref<128x16xf32, #tpu.memory_space<vmem>>) target(%dma_start3A_37 : memref<10240x16xf32, #tpu.memory_space<vmem_shared>>) offsets(%dma_start3A_34 : memref<128xi32, #tpu.memory_space<vmem>>) semaphore(%run_scoped3A : memref<!tpu.dma_semaphore, #tpu.memory_space<semaphore_mem>>) {add = true}
        %dma_wait3A = arith.constant 0 : i32
        %dma_wait3A_38 = tpu.memref_slice %arg4[%scan3A_30, %dma_wait3A] : memref<80x128xi32, #tpu.memory_space<vmem>> -> memref<1x128xi32, #tpu.memory_space<vmem>>
        %dma_wait3A_39 = tpu.memref_squeeze %dma_wait3A_38 : memref<1x128xi32, #tpu.memory_space<vmem>> -> memref<128xi32, #tpu.memory_space<vmem>>
        %dma_wait3A_40 = arith.constant 0 : i32
        %dma_wait3A_41 = arith.constant 0 : i32
        %dma_wait3A_42 = tpu.memref_slice %arg7[%dma_wait3A_40, %dma_wait3A_41] : memref<10240x16xf32, #tpu.memory_space<vmem_shared>> -> memref<10240x16xf32, #tpu.memory_space<vmem_shared>>
        tpu.wait_indirect_dma semaphore(%run_scoped3A : memref<!tpu.dma_semaphore, #tpu.memory_space<semaphore_mem>>) src(%arg5 : memref<128x16xf32, #tpu.memory_space<vmem>>) dst(%dma_wait3A_42 : memref<10240x16xf32, #tpu.memory_space<vmem_shared>>)
        tpu.yield
      }) : () -> ()
      %scan3A_32 = arith.constant 0 : i32
      scf.yield %scan3A_32 : i32
    }
    %scan3A_28 = arith.constant 80 : i32
    %barrier3A_29 = arith.constant 0 : index
    tpu.barrier barrier_id(%barrier3A_29)
    "tpu.region"() ({
      %run_scoped3A = tpu.sem_alloc : memref<!tpu.dma_semaphore, #tpu.memory_space<semaphore_mem>>
      %dma_start3A = arith.constant 0 : i32
      %dma_start3A_30 = tpu.memref_slice %arg3[%arg0, %mul3A_11, %dma_start3A] : memref<2x10240x16xf32, #tpu.memory_space<hbm>> -> memref<1x640x16xf32, #tpu.memory_space<hbm>>
      %dma_start3A_31 = tpu.memref_squeeze %dma_start3A_30 : memref<1x640x16xf32, #tpu.memory_space<hbm>> -> memref<640x16xf32, #tpu.memory_space<hbm>>
      %dma_start3A_32 = arith.constant 0 : i32
      %dma_start3A_33 = tpu.memref_slice %arg7[%mul3A_11, %dma_start3A_32] : memref<10240x16xf32, #tpu.memory_space<vmem_shared>> -> memref<640x16xf32, #tpu.memory_space<vmem_shared>>
      tpu.enqueue_dma source(%dma_start3A_33 : memref<640x16xf32, #tpu.memory_space<vmem_shared>>) target(%dma_start3A_31 : memref<640x16xf32, #tpu.memory_space<hbm>>) target_semaphore(%run_scoped3A : memref<!tpu.dma_semaphore, #tpu.memory_space<semaphore_mem>>)
      %dma_wait3A = arith.constant 0 : i32
      %dma_wait3A_34 = tpu.memref_slice %arg3[%arg0, %mul3A_11, %dma_wait3A] : memref<2x10240x16xf32, #tpu.memory_space<hbm>> -> memref<1x640x16xf32, #tpu.memory_space<hbm>>
      %dma_wait3A_35 = tpu.memref_squeeze %dma_wait3A_34 : memref<1x640x16xf32, #tpu.memory_space<hbm>> -> memref<640x16xf32, #tpu.memory_space<hbm>>
      %dma_wait3A_36 = arith.constant 0 : i32
      %dma_wait3A_37 = tpu.memref_slice %arg7[%mul3A_11, %dma_wait3A_36] : memref<10240x16xf32, #tpu.memory_space<vmem_shared>> -> memref<640x16xf32, #tpu.memory_space<vmem_shared>>
      tpu.wait_dma2 semaphore(%run_scoped3A : memref<!tpu.dma_semaphore, #tpu.memory_space<semaphore_mem>>) src(%dma_wait3A_37 : memref<640x16xf32, #tpu.memory_space<vmem_shared>>) dst(%dma_wait3A_35 : memref<640x16xf32, #tpu.memory_space<hbm>>)
      tpu.yield
    }) : () -> ()
    return
  }
}

#map = affine_map<(d0, d1) -> (0, 0)>
#map1 = affine_map<(d0, d1) -> (0, 0, 0)>
module attributes {stable_mosaic.version = 14 : i64} {
  func.func @_hop_kernel(%arg0: i32, %arg1: i32, %arg2: memref<10240x128xf32, #tpu.memory_space<hbm>>, %arg3: memref<2560x2x128xi32, #tpu.memory_space<hbm>>, %arg4: memref<2x10240x128xf32, #tpu.memory_space<hbm>>, %arg5: memref<2x128xi32, #tpu.memory_space<vmem>>, %arg6: memref<2x128xi32, #tpu.memory_space<vmem>>, %arg7: memref<128x128xf32, #tpu.memory_space<vmem>>, %arg8: memref<128x128xf32, #tpu.memory_space<vmem>>, %arg9: memref<10240x128xf32, #tpu.memory_space<vmem_shared>>, %arg10: memref<!tpu.dma_semaphore, #tpu.memory_space<semaphore_mem>>, %arg11: memref<!tpu.dma_semaphore, #tpu.memory_space<semaphore_mem>>) attributes {dimension_semantics = [#tpu.dimension_semantics<core_parallel>, #tpu.dimension_semantics<subcore_parallel>], iteration_bounds = array<i64: 2, 16>, scalar_prefetch = 0 : i64, scratch_operands = 7 : i64, tpu.core_type = #tpu.core_type<sc_vector_subcore>, window_params = [{transform_indices = #map}, {transform_indices = #map1}, {transform_indices = #map1}]} {
    %mul3A = arith.constant 16 : i32
    %mul3A_0 = arith.muli %arg0, %mul3A : i32
    %add3A = arith.addi %mul3A_0, %arg1 : i32
    %mul3A_1 = arith.constant 80 : i32
    %mul3A_2 = arith.muli %add3A, %mul3A_1 : i32
    %broadcast_in_dim3A = arith.constant 0.000000e+00 : f32
    %broadcast_in_dim3A_3 = vector.broadcast %broadcast_in_dim3A : f32 to vector<16xf32>
    "tpu.trace_start"() <{level = 10 : i32, message = "hop_zerofill"}> : () -> ()
    %scan3A = arith.constant 0 : i32
    %scan3A_4 = arith.constant 0 : i32
    %scan3A_5 = arith.constant 128 : i32
    %scan3A_6 = arith.addi %scan3A_4, %scan3A_5 : i32
    %scan3A_7 = arith.constant 1 : i32
    %scan3A_8 = scf.for %scan3A_36 = %scan3A_4 to %scan3A_6 step %scan3A_7 iter_args(%scan3A_37 = %scan3A) -> (i32)  : i32 {
      %scan3A_38 = arith.constant 0 : i32
      %scan3A_39 = arith.constant 0 : i32
      %scan3A_40 = arith.constant 8 : i32
      %scan3A_41 = arith.addi %scan3A_39, %scan3A_40 : i32
      %scan3A_42 = arith.constant 1 : i32
      %scan3A_43 = scf.for %scan3A_46 = %scan3A_39 to %scan3A_41 step %scan3A_42 iter_args(%scan3A_47 = %scan3A_38) -> (i32)  : i32 {
        %mul3A_48 = arith.constant 16 : i32
        %mul3A_49 = arith.muli %scan3A_46, %mul3A_48 : i32
        %swap3A = arith.index_cast %scan3A_36 : i32 to index
        %swap3A_50 = arith.index_cast %mul3A_49 : i32 to index
        %swap3A_51 = tpu.vector_load %arg7[%swap3A, %swap3A_50] {strides = array<i32>} : memref<128x128xf32, #tpu.memory_space<vmem>>, vector<1x16xf32>,
        %swap3A_52 = vector.shape_cast %swap3A_51 : vector<1x16xf32> to vector<16xf32>
        %swap3A_53 = vector.shape_cast %broadcast_in_dim3A_3 : vector<16xf32> to vector<1x16xf32>
        tpu.vector_store %arg7[%swap3A, %swap3A_50], %swap3A_53 {strides = array<i32>} : memref<128x128xf32, #tpu.memory_space<vmem>>, vector<1x16xf32>,
        %scan3A_54 = arith.constant 0 : i32
        scf.yield %scan3A_54 : i32
      }
      %scan3A_44 = arith.constant 8 : i32
      %scan3A_45 = arith.constant 0 : i32
      scf.yield %scan3A_45 : i32
    }
    %scan3A_9 = arith.constant 128 : i32
    "tpu.trace_stop"() : () -> ()
    %mul3A_10 = arith.constant 640 : i32
    %mul3A_11 = arith.muli %arg1, %mul3A_10 : i32
    "tpu.trace_start"() <{level = 10 : i32, message = "hop_zeroacc"}> : () -> ()
    %add3A_12 = arith.constant 0 : i32
    %add3A_13 = arith.addi %mul3A_11, %add3A_12 : i32
    "tpu.region"() ({
      %run_scoped3A = tpu.sem_alloc : memref<!tpu.dma_semaphore, #tpu.memory_space<semaphore_mem>>
      %dma_start3A_36 = arith.constant 0 : i32
      %dma_start3A_37 = tpu.memref_slice %arg9[%add3A_13, %dma_start3A_36] : memref<10240x128xf32, #tpu.memory_space<vmem_shared>> -> memref<128x128xf32, #tpu.memory_space<vmem_shared>>
      %dma_start3A_38 = arith.constant 0 : i32
      %dma_start3A_39 = tpu.memref_slice %arg9[%add3A_13, %dma_start3A_38] : memref<10240x128xf32, #tpu.memory_space<vmem_shared>> -> memref<128x128xf32, #tpu.memory_space<vmem_shared>>
      tpu.enqueue_dma source(%arg7 : memref<128x128xf32, #tpu.memory_space<vmem>>) target(%dma_start3A_39 : memref<128x128xf32, #tpu.memory_space<vmem_shared>>) target_semaphore(%run_scoped3A : memref<!tpu.dma_semaphore, #tpu.memory_space<semaphore_mem>>)
      %dma_wait3A = arith.constant 0 : i32
      %dma_wait3A_40 = tpu.memref_slice %arg9[%add3A_13, %dma_wait3A] : memref<10240x128xf32, #tpu.memory_space<vmem_shared>> -> memref<128x128xf32, #tpu.memory_space<vmem_shared>>
      %dma_wait3A_41 = arith.constant 0 : i32
      %dma_wait3A_42 = tpu.memref_slice %arg9[%add3A_13, %dma_wait3A_41] : memref<10240x128xf32, #tpu.memory_space<vmem_shared>> -> memref<128x128xf32, #tpu.memory_space<vmem_shared>>
      tpu.wait_dma2 semaphore(%run_scoped3A : memref<!tpu.dma_semaphore, #tpu.memory_space<semaphore_mem>>) src(%arg7 : memref<128x128xf32, #tpu.memory_space<vmem>>) dst(%dma_wait3A_42 : memref<128x128xf32, #tpu.memory_space<vmem_shared>>)
      tpu.yield
    }) : () -> ()
    %add3A_14 = arith.constant 128 : i32
    %add3A_15 = arith.addi %mul3A_11, %add3A_14 : i32
    "tpu.region"() ({
      %run_scoped3A = tpu.sem_alloc : memref<!tpu.dma_semaphore, #tpu.memory_space<semaphore_mem>>
      %dma_start3A_36 = arith.constant 0 : i32
      %dma_start3A_37 = tpu.memref_slice %arg9[%add3A_15, %dma_start3A_36] : memref<10240x128xf32, #tpu.memory_space<vmem_shared>> -> memref<128x128xf32, #tpu.memory_space<vmem_shared>>
      %dma_start3A_38 = arith.constant 0 : i32
      %dma_start3A_39 = tpu.memref_slice %arg9[%add3A_15, %dma_start3A_38] : memref<10240x128xf32, #tpu.memory_space<vmem_shared>> -> memref<128x128xf32, #tpu.memory_space<vmem_shared>>
      tpu.enqueue_dma source(%arg7 : memref<128x128xf32, #tpu.memory_space<vmem>>) target(%dma_start3A_39 : memref<128x128xf32, #tpu.memory_space<vmem_shared>>) target_semaphore(%run_scoped3A : memref<!tpu.dma_semaphore, #tpu.memory_space<semaphore_mem>>)
      %dma_wait3A = arith.constant 0 : i32
      %dma_wait3A_40 = tpu.memref_slice %arg9[%add3A_15, %dma_wait3A] : memref<10240x128xf32, #tpu.memory_space<vmem_shared>> -> memref<128x128xf32, #tpu.memory_space<vmem_shared>>
      %dma_wait3A_41 = arith.constant 0 : i32
      %dma_wait3A_42 = tpu.memref_slice %arg9[%add3A_15, %dma_wait3A_41] : memref<10240x128xf32, #tpu.memory_space<vmem_shared>> -> memref<128x128xf32, #tpu.memory_space<vmem_shared>>
      tpu.wait_dma2 semaphore(%run_scoped3A : memref<!tpu.dma_semaphore, #tpu.memory_space<semaphore_mem>>) src(%arg7 : memref<128x128xf32, #tpu.memory_space<vmem>>) dst(%dma_wait3A_42 : memref<128x128xf32, #tpu.memory_space<vmem_shared>>)
      tpu.yield
    }) : () -> ()
    %add3A_16 = arith.constant 256 : i32
    %add3A_17 = arith.addi %mul3A_11, %add3A_16 : i32
    "tpu.region"() ({
      %run_scoped3A = tpu.sem_alloc : memref<!tpu.dma_semaphore, #tpu.memory_space<semaphore_mem>>
      %dma_start3A_36 = arith.constant 0 : i32
      %dma_start3A_37 = tpu.memref_slice %arg9[%add3A_17, %dma_start3A_36] : memref<10240x128xf32, #tpu.memory_space<vmem_shared>> -> memref<128x128xf32, #tpu.memory_space<vmem_shared>>
      %dma_start3A_38 = arith.constant 0 : i32
      %dma_start3A_39 = tpu.memref_slice %arg9[%add3A_17, %dma_start3A_38] : memref<10240x128xf32, #tpu.memory_space<vmem_shared>> -> memref<128x128xf32, #tpu.memory_space<vmem_shared>>
      tpu.enqueue_dma source(%arg7 : memref<128x128xf32, #tpu.memory_space<vmem>>) target(%dma_start3A_39 : memref<128x128xf32, #tpu.memory_space<vmem_shared>>) target_semaphore(%run_scoped3A : memref<!tpu.dma_semaphore, #tpu.memory_space<semaphore_mem>>)
      %dma_wait3A = arith.constant 0 : i32
      %dma_wait3A_40 = tpu.memref_slice %arg9[%add3A_17, %dma_wait3A] : memref<10240x128xf32, #tpu.memory_space<vmem_shared>> -> memref<128x128xf32, #tpu.memory_space<vmem_shared>>
      %dma_wait3A_41 = arith.constant 0 : i32
      %dma_wait3A_42 = tpu.memref_slice %arg9[%add3A_17, %dma_wait3A_41] : memref<10240x128xf32, #tpu.memory_space<vmem_shared>> -> memref<128x128xf32, #tpu.memory_space<vmem_shared>>
      tpu.wait_dma2 semaphore(%run_scoped3A : memref<!tpu.dma_semaphore, #tpu.memory_space<semaphore_mem>>) src(%arg7 : memref<128x128xf32, #tpu.memory_space<vmem>>) dst(%dma_wait3A_42 : memref<128x128xf32, #tpu.memory_space<vmem_shared>>)
      tpu.yield
    }) : () -> ()
    %add3A_18 = arith.constant 384 : i32
    %add3A_19 = arith.addi %mul3A_11, %add3A_18 : i32
    "tpu.region"() ({
      %run_scoped3A = tpu.sem_alloc : memref<!tpu.dma_semaphore, #tpu.memory_space<semaphore_mem>>
      %dma_start3A_36 = arith.constant 0 : i32
      %dma_start3A_37 = tpu.memref_slice %arg9[%add3A_19, %dma_start3A_36] : memref<10240x128xf32, #tpu.memory_space<vmem_shared>> -> memref<128x128xf32, #tpu.memory_space<vmem_shared>>
      %dma_start3A_38 = arith.constant 0 : i32
      %dma_start3A_39 = tpu.memref_slice %arg9[%add3A_19, %dma_start3A_38] : memref<10240x128xf32, #tpu.memory_space<vmem_shared>> -> memref<128x128xf32, #tpu.memory_space<vmem_shared>>
      tpu.enqueue_dma source(%arg7 : memref<128x128xf32, #tpu.memory_space<vmem>>) target(%dma_start3A_39 : memref<128x128xf32, #tpu.memory_space<vmem_shared>>) target_semaphore(%run_scoped3A : memref<!tpu.dma_semaphore, #tpu.memory_space<semaphore_mem>>)
      %dma_wait3A = arith.constant 0 : i32
      %dma_wait3A_40 = tpu.memref_slice %arg9[%add3A_19, %dma_wait3A] : memref<10240x128xf32, #tpu.memory_space<vmem_shared>> -> memref<128x128xf32, #tpu.memory_space<vmem_shared>>
      %dma_wait3A_41 = arith.constant 0 : i32
      %dma_wait3A_42 = tpu.memref_slice %arg9[%add3A_19, %dma_wait3A_41] : memref<10240x128xf32, #tpu.memory_space<vmem_shared>> -> memref<128x128xf32, #tpu.memory_space<vmem_shared>>
      tpu.wait_dma2 semaphore(%run_scoped3A : memref<!tpu.dma_semaphore, #tpu.memory_space<semaphore_mem>>) src(%arg7 : memref<128x128xf32, #tpu.memory_space<vmem>>) dst(%dma_wait3A_42 : memref<128x128xf32, #tpu.memory_space<vmem_shared>>)
      tpu.yield
    }) : () -> ()
    %add3A_20 = arith.constant 512 : i32
    %add3A_21 = arith.addi %mul3A_11, %add3A_20 : i32
    "tpu.region"() ({
      %run_scoped3A = tpu.sem_alloc : memref<!tpu.dma_semaphore, #tpu.memory_space<semaphore_mem>>
      %dma_start3A_36 = arith.constant 0 : i32
      %dma_start3A_37 = tpu.memref_slice %arg9[%add3A_21, %dma_start3A_36] : memref<10240x128xf32, #tpu.memory_space<vmem_shared>> -> memref<128x128xf32, #tpu.memory_space<vmem_shared>>
      %dma_start3A_38 = arith.constant 0 : i32
      %dma_start3A_39 = tpu.memref_slice %arg9[%add3A_21, %dma_start3A_38] : memref<10240x128xf32, #tpu.memory_space<vmem_shared>> -> memref<128x128xf32, #tpu.memory_space<vmem_shared>>
      tpu.enqueue_dma source(%arg7 : memref<128x128xf32, #tpu.memory_space<vmem>>) target(%dma_start3A_39 : memref<128x128xf32, #tpu.memory_space<vmem_shared>>) target_semaphore(%run_scoped3A : memref<!tpu.dma_semaphore, #tpu.memory_space<semaphore_mem>>)
      %dma_wait3A = arith.constant 0 : i32
      %dma_wait3A_40 = tpu.memref_slice %arg9[%add3A_21, %dma_wait3A] : memref<10240x128xf32, #tpu.memory_space<vmem_shared>> -> memref<128x128xf32, #tpu.memory_space<vmem_shared>>
      %dma_wait3A_41 = arith.constant 0 : i32
      %dma_wait3A_42 = tpu.memref_slice %arg9[%add3A_21, %dma_wait3A_41] : memref<10240x128xf32, #tpu.memory_space<vmem_shared>> -> memref<128x128xf32, #tpu.memory_space<vmem_shared>>
      tpu.wait_dma2 semaphore(%run_scoped3A : memref<!tpu.dma_semaphore, #tpu.memory_space<semaphore_mem>>) src(%arg7 : memref<128x128xf32, #tpu.memory_space<vmem>>) dst(%dma_wait3A_42 : memref<128x128xf32, #tpu.memory_space<vmem_shared>>)
      tpu.yield
    }) : () -> ()
    %barrier3A = arith.constant 0 : index
    tpu.barrier barrier_id(%barrier3A)
    "tpu.trace_stop"() : () -> ()
    "tpu.trace_start"() <{level = 10 : i32, message = "hop_edges"}> : () -> ()
    "tpu.region"() ({
      %run_scoped3A = tpu.sem_alloc : memref<!tpu.dma_semaphore, #tpu.memory_space<semaphore_mem>>
      %dma_start3A_36 = arith.constant 0 : i32
      %dma_start3A_37 = arith.constant 0 : i32
      %dma_start3A_38 = tpu.memref_slice %arg3[%mul3A_2, %dma_start3A_36, %dma_start3A_37] : memref<2560x2x128xi32, #tpu.memory_space<hbm>> -> memref<1x2x128xi32, #tpu.memory_space<hbm>>
      %dma_start3A_39 = tpu.memref_squeeze %dma_start3A_38 : memref<1x2x128xi32, #tpu.memory_space<hbm>> -> memref<2x128xi32, #tpu.memory_space<hbm>>
      %dma_start3A_40 = arith.constant 0 : i32
      %dma_start3A_41 = arith.constant 0 : i32
      %dma_start3A_42 = tpu.memref_slice %arg3[%mul3A_2, %dma_start3A_40, %dma_start3A_41] : memref<2560x2x128xi32, #tpu.memory_space<hbm>> -> memref<1x2x128xi32, #tpu.memory_space<hbm>>
      %dma_start3A_43 = tpu.memref_squeeze %dma_start3A_42 : memref<1x2x128xi32, #tpu.memory_space<hbm>> -> memref<2x128xi32, #tpu.memory_space<hbm>>
      tpu.enqueue_dma source(%dma_start3A_43 : memref<2x128xi32, #tpu.memory_space<hbm>>) target(%arg5 : memref<2x128xi32, #tpu.memory_space<vmem>>) target_semaphore(%run_scoped3A : memref<!tpu.dma_semaphore, #tpu.memory_space<semaphore_mem>>)
      %dma_wait3A = arith.constant 0 : i32
      %dma_wait3A_44 = arith.constant 0 : i32
      %dma_wait3A_45 = tpu.memref_slice %arg3[%mul3A_2, %dma_wait3A, %dma_wait3A_44] : memref<2560x2x128xi32, #tpu.memory_space<hbm>> -> memref<1x2x128xi32, #tpu.memory_space<hbm>>
      %dma_wait3A_46 = tpu.memref_squeeze %dma_wait3A_45 : memref<1x2x128xi32, #tpu.memory_space<hbm>> -> memref<2x128xi32, #tpu.memory_space<hbm>>
      %dma_wait3A_47 = arith.constant 0 : i32
      %dma_wait3A_48 = arith.constant 0 : i32
      %dma_wait3A_49 = tpu.memref_slice %arg3[%mul3A_2, %dma_wait3A_47, %dma_wait3A_48] : memref<2560x2x128xi32, #tpu.memory_space<hbm>> -> memref<1x2x128xi32, #tpu.memory_space<hbm>>
      %dma_wait3A_50 = tpu.memref_squeeze %dma_wait3A_49 : memref<1x2x128xi32, #tpu.memory_space<hbm>> -> memref<2x128xi32, #tpu.memory_space<hbm>>
      tpu.wait_dma2 semaphore(%run_scoped3A : memref<!tpu.dma_semaphore, #tpu.memory_space<semaphore_mem>>) src(%dma_wait3A_50 : memref<2x128xi32, #tpu.memory_space<hbm>>) dst(%arg5 : memref<2x128xi32, #tpu.memory_space<vmem>>)
      tpu.yield
    }) : () -> ()
    %dma_start3A = arith.constant 0 : i32
    %dma_start3A_22 = arith.constant 0 : i32
    %dma_start3A_23 = tpu.memref_slice %arg5[%dma_start3A, %dma_start3A_22] : memref<2x128xi32, #tpu.memory_space<vmem>> -> memref<1x128xi32, #tpu.memory_space<vmem>>
    %dma_start3A_24 = tpu.memref_squeeze %dma_start3A_23 : memref<1x128xi32, #tpu.memory_space<vmem>> -> memref<128xi32, #tpu.memory_space<vmem>>
    %dma_start3A_25 = arith.constant 0 : i32
    %dma_start3A_26 = arith.constant 0 : i32
    %dma_start3A_27 = tpu.memref_slice %arg2[%dma_start3A_25, %dma_start3A_26] : memref<10240x128xf32, #tpu.memory_space<hbm>> -> memref<10240x128xf32, #tpu.memory_space<hbm>>
    tpu.enqueue_indirect_dma source(%dma_start3A_27 : memref<10240x128xf32, #tpu.memory_space<hbm>>) target(%arg7 : memref<128x128xf32, #tpu.memory_space<vmem>>) offsets(%dma_start3A_24 : memref<128xi32, #tpu.memory_space<vmem>>) semaphore(%arg10 : memref<!tpu.dma_semaphore, #tpu.memory_space<semaphore_mem>>)
    %scan3A_28 = arith.constant 0 : i32
    %scan3A_29 = arith.constant 0 : i32
    %scan3A_30 = arith.constant 40 : i32
    %scan3A_31 = arith.addi %scan3A_29, %scan3A_30 : i32
    %scan3A_32 = arith.constant 1 : i32
    %scan3A_33 = scf.for %scan3A_36 = %scan3A_29 to %scan3A_31 step %scan3A_32 iter_args(%scan3A_37 = %scan3A_28) -> (i32)  : i32 {
      %mul3A_38 = arith.constant 2 : i32
      %mul3A_39 = arith.muli %mul3A_38, %scan3A_36 : i32
      %add3A_40 = arith.constant 1 : i32
      %add3A_41 = arith.addi %mul3A_39, %add3A_40 : i32
      %mul3A_42 = arith.constant 2 : i32
      %mul3A_43 = arith.muli %mul3A_42, %scan3A_36 : i32
      %add3A_44 = arith.constant 2 : i32
      %add3A_45 = arith.addi %mul3A_43, %add3A_44 : i32
      %add3A_46 = arith.addi %mul3A_2, %add3A_41 : i32
      "tpu.region"() ({
        %run_scoped3A_76 = tpu.sem_alloc : memref<!tpu.dma_semaphore, #tpu.memory_space<semaphore_mem>>
        %dma_start3A_77 = arith.constant 0 : i32
        %dma_start3A_78 = arith.constant 0 : i32
        %dma_start3A_79 = tpu.memref_slice %arg3[%add3A_46, %dma_start3A_77, %dma_start3A_78] : memref<2560x2x128xi32, #tpu.memory_space<hbm>> -> memref<1x2x128xi32, #tpu.memory_space<hbm>>
        %dma_start3A_80 = tpu.memref_squeeze %dma_start3A_79 : memref<1x2x128xi32, #tpu.memory_space<hbm>> -> memref<2x128xi32, #tpu.memory_space<hbm>>
        %dma_start3A_81 = arith.constant 0 : i32
        %dma_start3A_82 = arith.constant 0 : i32
        %dma_start3A_83 = tpu.memref_slice %arg3[%add3A_46, %dma_start3A_81, %dma_start3A_82] : memref<2560x2x128xi32, #tpu.memory_space<hbm>> -> memref<1x2x128xi32, #tpu.memory_space<hbm>>
        %dma_start3A_84 = tpu.memref_squeeze %dma_start3A_83 : memref<1x2x128xi32, #tpu.memory_space<hbm>> -> memref<2x128xi32, #tpu.memory_space<hbm>>
        tpu.enqueue_dma source(%dma_start3A_84 : memref<2x128xi32, #tpu.memory_space<hbm>>) target(%arg6 : memref<2x128xi32, #tpu.memory_space<vmem>>) target_semaphore(%run_scoped3A_76 : memref<!tpu.dma_semaphore, #tpu.memory_space<semaphore_mem>>)
        %dma_wait3A_85 = arith.constant 0 : i32
        %dma_wait3A_86 = arith.constant 0 : i32
        %dma_wait3A_87 = tpu.memref_slice %arg3[%add3A_46, %dma_wait3A_85, %dma_wait3A_86] : memref<2560x2x128xi32, #tpu.memory_space<hbm>> -> memref<1x2x128xi32, #tpu.memory_space<hbm>>
        %dma_wait3A_88 = tpu.memref_squeeze %dma_wait3A_87 : memref<1x2x128xi32, #tpu.memory_space<hbm>> -> memref<2x128xi32, #tpu.memory_space<hbm>>
        %dma_wait3A_89 = arith.constant 0 : i32
        %dma_wait3A_90 = arith.constant 0 : i32
        %dma_wait3A_91 = tpu.memref_slice %arg3[%add3A_46, %dma_wait3A_89, %dma_wait3A_90] : memref<2560x2x128xi32, #tpu.memory_space<hbm>> -> memref<1x2x128xi32, #tpu.memory_space<hbm>>
        %dma_wait3A_92 = tpu.memref_squeeze %dma_wait3A_91 : memref<1x2x128xi32, #tpu.memory_space<hbm>> -> memref<2x128xi32, #tpu.memory_space<hbm>>
        tpu.wait_dma2 semaphore(%run_scoped3A_76 : memref<!tpu.dma_semaphore, #tpu.memory_space<semaphore_mem>>) src(%dma_wait3A_92 : memref<2x128xi32, #tpu.memory_space<hbm>>) dst(%arg6 : memref<2x128xi32, #tpu.memory_space<vmem>>)
        tpu.yield
      }) : () -> ()
      %dma_wait3A = arith.constant 0 : i32
      %dma_wait3A_47 = arith.constant 0 : i32
      %dma_wait3A_48 = tpu.memref_slice %arg5[%dma_wait3A, %dma_wait3A_47] : memref<2x128xi32, #tpu.memory_space<vmem>> -> memref<1x128xi32, #tpu.memory_space<vmem>>
      %dma_wait3A_49 = tpu.memref_squeeze %dma_wait3A_48 : memref<1x128xi32, #tpu.memory_space<vmem>> -> memref<128xi32, #tpu.memory_space<vmem>>
      %dma_wait3A_50 = arith.constant 0 : i32
      %dma_wait3A_51 = arith.constant 0 : i32
      %dma_wait3A_52 = tpu.memref_slice %arg2[%dma_wait3A_50, %dma_wait3A_51] : memref<10240x128xf32, #tpu.memory_space<hbm>> -> memref<10240x128xf32, #tpu.memory_space<hbm>>
      tpu.wait_indirect_dma semaphore(%arg10 : memref<!tpu.dma_semaphore, #tpu.memory_space<semaphore_mem>>) src(%dma_wait3A_52 : memref<10240x128xf32, #tpu.memory_space<hbm>>) dst(%arg7 : memref<128x128xf32, #tpu.memory_space<vmem>>)
      %dma_start3A_53 = arith.constant 0 : i32
      %dma_start3A_54 = arith.constant 0 : i32
      %dma_start3A_55 = tpu.memref_slice %arg6[%dma_start3A_53, %dma_start3A_54] : memref<2x128xi32, #tpu.memory_space<vmem>> -> memref<1x128xi32, #tpu.memory_space<vmem>>
      %dma_start3A_56 = tpu.memref_squeeze %dma_start3A_55 : memref<1x128xi32, #tpu.memory_space<vmem>> -> memref<128xi32, #tpu.memory_space<vmem>>
      %dma_start3A_57 = arith.constant 0 : i32
      %dma_start3A_58 = arith.constant 0 : i32
      %dma_start3A_59 = tpu.memref_slice %arg2[%dma_start3A_57, %dma_start3A_58] : memref<10240x128xf32, #tpu.memory_space<hbm>> -> memref<10240x128xf32, #tpu.memory_space<hbm>>
      tpu.enqueue_indirect_dma source(%dma_start3A_59 : memref<10240x128xf32, #tpu.memory_space<hbm>>) target(%arg8 : memref<128x128xf32, #tpu.memory_space<vmem>>) offsets(%dma_start3A_56 : memref<128xi32, #tpu.memory_space<vmem>>) semaphore(%arg11 : memref<!tpu.dma_semaphore, #tpu.memory_space<semaphore_mem>>)
      %run_scoped3A = arith.constant 1 : i32
      "tpu.region"() ({
        %run_scoped3A_76 = tpu.sem_alloc : memref<!tpu.dma_semaphore, #tpu.memory_space<semaphore_mem>>
        %dma_start3A_77 = arith.constant 0 : i32
        %dma_start3A_78 = tpu.memref_slice %arg5[%run_scoped3A, %dma_start3A_77] : memref<2x128xi32, #tpu.memory_space<vmem>> -> memref<1x128xi32, #tpu.memory_space<vmem>>
        %dma_start3A_79 = tpu.memref_squeeze %dma_start3A_78 : memref<1x128xi32, #tpu.memory_space<vmem>> -> memref<128xi32, #tpu.memory_space<vmem>>
        %dma_start3A_80 = arith.constant 0 : i32
        %dma_start3A_81 = arith.constant 0 : i32
        %dma_start3A_82 = tpu.memref_slice %arg9[%dma_start3A_80, %dma_start3A_81] : memref<10240x128xf32, #tpu.memory_space<vmem_shared>> -> memref<10240x128xf32, #tpu.memory_space<vmem_shared>>
        tpu.enqueue_indirect_dma source(%arg7 : memref<128x128xf32, #tpu.memory_space<vmem>>) target(%dma_start3A_82 : memref<10240x128xf32, #tpu.memory_space<vmem_shared>>) offsets(%dma_start3A_79 : memref<128xi32, #tpu.memory_space<vmem>>) semaphore(%run_scoped3A_76 : memref<!tpu.dma_semaphore, #tpu.memory_space<semaphore_mem>>) {add = true}
        %dma_wait3A_83 = arith.constant 0 : i32
        %dma_wait3A_84 = tpu.memref_slice %arg5[%run_scoped3A, %dma_wait3A_83] : memref<2x128xi32, #tpu.memory_space<vmem>> -> memref<1x128xi32, #tpu.memory_space<vmem>>
        %dma_wait3A_85 = tpu.memref_squeeze %dma_wait3A_84 : memref<1x128xi32, #tpu.memory_space<vmem>> -> memref<128xi32, #tpu.memory_space<vmem>>
        %dma_wait3A_86 = arith.constant 0 : i32
        %dma_wait3A_87 = arith.constant 0 : i32
        %dma_wait3A_88 = tpu.memref_slice %arg9[%dma_wait3A_86, %dma_wait3A_87] : memref<10240x128xf32, #tpu.memory_space<vmem_shared>> -> memref<10240x128xf32, #tpu.memory_space<vmem_shared>>
        tpu.wait_indirect_dma semaphore(%run_scoped3A_76 : memref<!tpu.dma_semaphore, #tpu.memory_space<semaphore_mem>>) src(%arg7 : memref<128x128xf32, #tpu.memory_space<vmem>>) dst(%dma_wait3A_88 : memref<10240x128xf32, #tpu.memory_space<vmem_shared>>)
        tpu.yield
      }) : () -> ()
      %lt3A = arith.constant 80 : i32
      %lt3A_60 = arith.cmpi slt, %add3A_45, %lt3A : i32
      %convert_element_type3A = arith.extui %lt3A_60 : i1 to i32
      %cond3A = arith.constant 0 : i32
      %cond3A_61 = arith.cmpi ne, %convert_element_type3A, %cond3A : i32
      scf.if %cond3A_61 {
        %add3A_76 = arith.addi %mul3A_2, %add3A_45 : i32
        "tpu.region"() ({
          %run_scoped3A_77 = tpu.sem_alloc : memref<!tpu.dma_semaphore, #tpu.memory_space<semaphore_mem>>
          %dma_start3A_78 = arith.constant 0 : i32
          %dma_start3A_79 = arith.constant 0 : i32
          %dma_start3A_80 = tpu.memref_slice %arg3[%add3A_76, %dma_start3A_78, %dma_start3A_79] : memref<2560x2x128xi32, #tpu.memory_space<hbm>> -> memref<1x2x128xi32, #tpu.memory_space<hbm>>
          %dma_start3A_81 = tpu.memref_squeeze %dma_start3A_80 : memref<1x2x128xi32, #tpu.memory_space<hbm>> -> memref<2x128xi32, #tpu.memory_space<hbm>>
          %dma_start3A_82 = arith.constant 0 : i32
          %dma_start3A_83 = arith.constant 0 : i32
          %dma_start3A_84 = tpu.memref_slice %arg3[%add3A_76, %dma_start3A_82, %dma_start3A_83] : memref<2560x2x128xi32, #tpu.memory_space<hbm>> -> memref<1x2x128xi32, #tpu.memory_space<hbm>>
          %dma_start3A_85 = tpu.memref_squeeze %dma_start3A_84 : memref<1x2x128xi32, #tpu.memory_space<hbm>> -> memref<2x128xi32, #tpu.memory_space<hbm>>
          tpu.enqueue_dma source(%dma_start3A_85 : memref<2x128xi32, #tpu.memory_space<hbm>>) target(%arg5 : memref<2x128xi32, #tpu.memory_space<vmem>>) target_semaphore(%run_scoped3A_77 : memref<!tpu.dma_semaphore, #tpu.memory_space<semaphore_mem>>)
          %dma_wait3A_86 = arith.constant 0 : i32
          %dma_wait3A_87 = arith.constant 0 : i32
          %dma_wait3A_88 = tpu.memref_slice %arg3[%add3A_76, %dma_wait3A_86, %dma_wait3A_87] : memref<2560x2x128xi32, #tpu.memory_space<hbm>> -> memref<1x2x128xi32, #tpu.memory_space<hbm>>
          %dma_wait3A_89 = tpu.memref_squeeze %dma_wait3A_88 : memref<1x2x128xi32, #tpu.memory_space<hbm>> -> memref<2x128xi32, #tpu.memory_space<hbm>>
          %dma_wait3A_90 = arith.constant 0 : i32
          %dma_wait3A_91 = arith.constant 0 : i32
          %dma_wait3A_92 = tpu.memref_slice %arg3[%add3A_76, %dma_wait3A_90, %dma_wait3A_91] : memref<2560x2x128xi32, #tpu.memory_space<hbm>> -> memref<1x2x128xi32, #tpu.memory_space<hbm>>
          %dma_wait3A_93 = tpu.memref_squeeze %dma_wait3A_92 : memref<1x2x128xi32, #tpu.memory_space<hbm>> -> memref<2x128xi32, #tpu.memory_space<hbm>>
          tpu.wait_dma2 semaphore(%run_scoped3A_77 : memref<!tpu.dma_semaphore, #tpu.memory_space<semaphore_mem>>) src(%dma_wait3A_93 : memref<2x128xi32, #tpu.memory_space<hbm>>) dst(%arg5 : memref<2x128xi32, #tpu.memory_space<vmem>>)
          tpu.yield
        }) : () -> ()
      } else {
      }
      %dma_wait3A_62 = arith.constant 0 : i32
      %dma_wait3A_63 = arith.constant 0 : i32
      %dma_wait3A_64 = tpu.memref_slice %arg6[%dma_wait3A_62, %dma_wait3A_63] : memref<2x128xi32, #tpu.memory_space<vmem>> -> memref<1x128xi32, #tpu.memory_space<vmem>>
      %dma_wait3A_65 = tpu.memref_squeeze %dma_wait3A_64 : memref<1x128xi32, #tpu.memory_space<vmem>> -> memref<128xi32, #tpu.memory_space<vmem>>
      %dma_wait3A_66 = arith.constant 0 : i32
      %dma_wait3A_67 = arith.constant 0 : i32
      %dma_wait3A_68 = tpu.memref_slice %arg2[%dma_wait3A_66, %dma_wait3A_67] : memref<10240x128xf32, #tpu.memory_space<hbm>> -> memref<10240x128xf32, #tpu.memory_space<hbm>>
      tpu.wait_indirect_dma semaphore(%arg11 : memref<!tpu.dma_semaphore, #tpu.memory_space<semaphore_mem>>) src(%dma_wait3A_68 : memref<10240x128xf32, #tpu.memory_space<hbm>>) dst(%arg8 : memref<128x128xf32, #tpu.memory_space<vmem>>)
      %lt3A_69 = arith.constant 80 : i32
      %lt3A_70 = arith.cmpi slt, %add3A_45, %lt3A_69 : i32
      %convert_element_type3A_71 = arith.extui %lt3A_70 : i1 to i32
      %cond3A_72 = arith.constant 0 : i32
      %cond3A_73 = arith.cmpi ne, %convert_element_type3A_71, %cond3A_72 : i32
      scf.if %cond3A_73 {
        %dma_start3A_76 = arith.constant 0 : i32
        %dma_start3A_77 = arith.constant 0 : i32
        %dma_start3A_78 = tpu.memref_slice %arg5[%dma_start3A_76, %dma_start3A_77] : memref<2x128xi32, #tpu.memory_space<vmem>> -> memref<1x128xi32, #tpu.memory_space<vmem>>
        %dma_start3A_79 = tpu.memref_squeeze %dma_start3A_78 : memref<1x128xi32, #tpu.memory_space<vmem>> -> memref<128xi32, #tpu.memory_space<vmem>>
        %dma_start3A_80 = arith.constant 0 : i32
        %dma_start3A_81 = arith.constant 0 : i32
        %dma_start3A_82 = tpu.memref_slice %arg2[%dma_start3A_80, %dma_start3A_81] : memref<10240x128xf32, #tpu.memory_space<hbm>> -> memref<10240x128xf32, #tpu.memory_space<hbm>>
        tpu.enqueue_indirect_dma source(%dma_start3A_82 : memref<10240x128xf32, #tpu.memory_space<hbm>>) target(%arg7 : memref<128x128xf32, #tpu.memory_space<vmem>>) offsets(%dma_start3A_79 : memref<128xi32, #tpu.memory_space<vmem>>) semaphore(%arg10 : memref<!tpu.dma_semaphore, #tpu.memory_space<semaphore_mem>>)
      } else {
      }
      %run_scoped3A_74 = arith.constant 1 : i32
      "tpu.region"() ({
        %run_scoped3A_76 = tpu.sem_alloc : memref<!tpu.dma_semaphore, #tpu.memory_space<semaphore_mem>>
        %dma_start3A_77 = arith.constant 0 : i32
        %dma_start3A_78 = tpu.memref_slice %arg6[%run_scoped3A_74, %dma_start3A_77] : memref<2x128xi32, #tpu.memory_space<vmem>> -> memref<1x128xi32, #tpu.memory_space<vmem>>
        %dma_start3A_79 = tpu.memref_squeeze %dma_start3A_78 : memref<1x128xi32, #tpu.memory_space<vmem>> -> memref<128xi32, #tpu.memory_space<vmem>>
        %dma_start3A_80 = arith.constant 0 : i32
        %dma_start3A_81 = arith.constant 0 : i32
        %dma_start3A_82 = tpu.memref_slice %arg9[%dma_start3A_80, %dma_start3A_81] : memref<10240x128xf32, #tpu.memory_space<vmem_shared>> -> memref<10240x128xf32, #tpu.memory_space<vmem_shared>>
        tpu.enqueue_indirect_dma source(%arg8 : memref<128x128xf32, #tpu.memory_space<vmem>>) target(%dma_start3A_82 : memref<10240x128xf32, #tpu.memory_space<vmem_shared>>) offsets(%dma_start3A_79 : memref<128xi32, #tpu.memory_space<vmem>>) semaphore(%run_scoped3A_76 : memref<!tpu.dma_semaphore, #tpu.memory_space<semaphore_mem>>) {add = true}
        %dma_wait3A_83 = arith.constant 0 : i32
        %dma_wait3A_84 = tpu.memref_slice %arg6[%run_scoped3A_74, %dma_wait3A_83] : memref<2x128xi32, #tpu.memory_space<vmem>> -> memref<1x128xi32, #tpu.memory_space<vmem>>
        %dma_wait3A_85 = tpu.memref_squeeze %dma_wait3A_84 : memref<1x128xi32, #tpu.memory_space<vmem>> -> memref<128xi32, #tpu.memory_space<vmem>>
        %dma_wait3A_86 = arith.constant 0 : i32
        %dma_wait3A_87 = arith.constant 0 : i32
        %dma_wait3A_88 = tpu.memref_slice %arg9[%dma_wait3A_86, %dma_wait3A_87] : memref<10240x128xf32, #tpu.memory_space<vmem_shared>> -> memref<10240x128xf32, #tpu.memory_space<vmem_shared>>
        tpu.wait_indirect_dma semaphore(%run_scoped3A_76 : memref<!tpu.dma_semaphore, #tpu.memory_space<semaphore_mem>>) src(%arg8 : memref<128x128xf32, #tpu.memory_space<vmem>>) dst(%dma_wait3A_88 : memref<10240x128xf32, #tpu.memory_space<vmem_shared>>)
        tpu.yield
      }) : () -> ()
      %scan3A_75 = arith.constant 0 : i32
      scf.yield %scan3A_75 : i32
    }
    %scan3A_34 = arith.constant 40 : i32
    %barrier3A_35 = arith.constant 0 : index
    tpu.barrier barrier_id(%barrier3A_35)
    "tpu.trace_stop"() : () -> ()
    "tpu.trace_start"() <{level = 10 : i32, message = "hop_writeout"}> : () -> ()
    "tpu.region"() ({
      %run_scoped3A = tpu.sem_alloc : memref<!tpu.dma_semaphore, #tpu.memory_space<semaphore_mem>>
      %dma_start3A_36 = arith.constant 0 : i32
      %dma_start3A_37 = tpu.memref_slice %arg4[%arg0, %mul3A_11, %dma_start3A_36] : memref<2x10240x128xf32, #tpu.memory_space<hbm>> -> memref<1x640x128xf32, #tpu.memory_space<hbm>>
      %dma_start3A_38 = tpu.memref_squeeze %dma_start3A_37 : memref<1x640x128xf32, #tpu.memory_space<hbm>> -> memref<640x128xf32, #tpu.memory_space<hbm>>
      %dma_start3A_39 = arith.constant 0 : i32
      %dma_start3A_40 = tpu.memref_slice %arg9[%mul3A_11, %dma_start3A_39] : memref<10240x128xf32, #tpu.memory_space<vmem_shared>> -> memref<640x128xf32, #tpu.memory_space<vmem_shared>>
      tpu.enqueue_dma source(%dma_start3A_40 : memref<640x128xf32, #tpu.memory_space<vmem_shared>>) target(%dma_start3A_38 : memref<640x128xf32, #tpu.memory_space<hbm>>) target_semaphore(%run_scoped3A : memref<!tpu.dma_semaphore, #tpu.memory_space<semaphore_mem>>)
      %dma_wait3A = arith.constant 0 : i32
      %dma_wait3A_41 = tpu.memref_slice %arg4[%arg0, %mul3A_11, %dma_wait3A] : memref<2x10240x128xf32, #tpu.memory_space<hbm>> -> memref<1x640x128xf32, #tpu.memory_space<hbm>>
      %dma_wait3A_42 = tpu.memref_squeeze %dma_wait3A_41 : memref<1x640x128xf32, #tpu.memory_space<hbm>> -> memref<640x128xf32, #tpu.memory_space<hbm>>
      %dma_wait3A_43 = arith.constant 0 : i32
      %dma_wait3A_44 = tpu.memref_slice %arg9[%mul3A_11, %dma_wait3A_43] : memref<10240x128xf32, #tpu.memory_space<vmem_shared>> -> memref<640x128xf32, #tpu.memory_space<vmem_shared>>
      tpu.wait_dma2 semaphore(%run_scoped3A : memref<!tpu.dma_semaphore, #tpu.memory_space<semaphore_mem>>) src(%dma_wait3A_44 : memref<640x128xf32, #tpu.memory_space<vmem_shared>>) dst(%dma_wait3A_42 : memref<640x128xf32, #tpu.memory_space<hbm>>)
      tpu.yield
    }) : () -> ()
    "tpu.trace_stop"() : () -> ()
    return
  }
}

module attributes {stable_mosaic.version = 14 : i64} {
  func.func @_mid_body(%arg0: i32, %arg1: memref<2x1024x128xf32, #tpu.memory_space<vmem>>, %arg2: memref<1024x128xf32, #tpu.memory_space<vmem>>, %arg3: memref<2x1024x16xf32, #tpu.memory_space<vmem>>, %arg4: memref<1024x128xf32, #tpu.memory_space<vmem>>) attributes {dimension_semantics = [#tpu.dimension_semantics<arbitrary>], iteration_bounds = array<i64: 10>, scalar_prefetch = 0 : i64, scratch_operands = 0 : i64, tpu.core_type = #tpu.core_type<tc>, window_params = [{transform_indices = @transform_0, window_bounds = array<i64: 2, 1024, 128>}, {transform_indices = @transform_1, window_bounds = array<i64: 1024, 128>}, {transform_indices = @transform_2, window_bounds = array<i64: 2, 1024, 16>}, {transform_indices = @transform_3, window_bounds = array<i64: 1024, 128>}]} {
    %get3A = arith.constant 0 : index
    %get3A_0 = arith.constant 0 : index
    %get3A_1 = arith.constant 0 : index
    %get3A_2 = vector.load %arg3[%get3A, %get3A_0, %get3A_1] : memref<2x1024x16xf32, #tpu.memory_space<vmem>>, vector<1x1024x1xf32>
    %get3A_3 = vector.shape_cast %get3A_2 : vector<1x1024x1xf32> to vector<1024x1xf32>
    %get3A_4 = arith.constant 1 : index
    %get3A_5 = arith.constant 0 : index
    %get3A_6 = arith.constant 0 : index
    %get3A_7 = vector.load %arg3[%get3A_4, %get3A_5, %get3A_6] : memref<2x1024x16xf32, #tpu.memory_space<vmem>>, vector<1x1024x1xf32>
    %get3A_8 = vector.shape_cast %get3A_7 : vector<1x1024x1xf32> to vector<1024x1xf32>
    %add3A = arith.addf %get3A_3, %get3A_8 : vector<1024x1xf32>
    %add3A_9 = arith.constant 1.000000e+00 : f32
    %add3A_10 = vector.broadcast %add3A_9 : f32 to vector<1024x1xf32>
    %add3A_11 = arith.addf %add3A, %add3A_10 : vector<1024x1xf32>
    %get3A_12 = arith.constant 0 : index
    %get3A_13 = arith.constant 0 : index
    %get3A_14 = arith.constant 0 : index
    %get3A_15 = vector.load %arg1[%get3A_12, %get3A_13, %get3A_14] : memref<2x1024x128xf32, #tpu.memory_space<vmem>>, vector<1x1024x128xf32>
    %get3A_16 = vector.shape_cast %get3A_15 : vector<1x1024x128xf32> to vector<1024x128xf32>
    %get3A_17 = arith.constant 1 : index
    %get3A_18 = arith.constant 0 : index
    %get3A_19 = arith.constant 0 : index
    %get3A_20 = vector.load %arg1[%get3A_17, %get3A_18, %get3A_19] : memref<2x1024x128xf32, #tpu.memory_space<vmem>>, vector<1x1024x128xf32>
    %get3A_21 = vector.shape_cast %get3A_20 : vector<1x1024x128xf32> to vector<1024x128xf32>
    %add3A_22 = arith.addf %get3A_16, %get3A_21 : vector<1024x128xf32>
    %get3A_23 = arith.constant 0 : index
    %get3A_24 = arith.constant 0 : index
    %get3A_25 = vector.load %arg2[%get3A_23, %get3A_24] : memref<1024x128xf32, #tpu.memory_space<vmem>>, vector<1024x128xf32>
    %add3A_26 = arith.addf %add3A_22, %get3A_25 : vector<1024x128xf32>
    %div3A = vector.broadcast %add3A_11 : vector<1024x1xf32> to vector<1024x128xf32>
    %div3A_27 = arith.divf %add3A_26, %div3A : vector<1024x128xf32>
    %swap3A = arith.constant 0 : index
    %swap3A_28 = arith.constant 0 : index
    %swap3A_29 = vector.load %arg4[%swap3A, %swap3A_28] : memref<1024x128xf32, #tpu.memory_space<vmem>>, vector<1024x128xf32>
    tpu.vector_store %arg4[%swap3A, %swap3A_28], %div3A_27 {strides = array<i32>} : memref<1024x128xf32, #tpu.memory_space<vmem>>, vector<1024x128xf32>,
    return
  }
  func.func @transform_0(%arg0: i32) -> (i32, i32, i32) {
    %c0_i32 = arith.constant 0 : i32
    %c0_i32_0 = arith.constant 0 : i32
    %c0_i32_1 = arith.constant 0 : i32
    return %c0_i32, %arg0, %c0_i32_0 : i32, i32, i32
  }
  func.func @transform_1(%arg0: i32) -> (i32, i32) {
    %c0_i32 = arith.constant 0 : i32
    %c0_i32_0 = arith.constant 0 : i32
    return %arg0, %c0_i32 : i32, i32
  }
  func.func @transform_2(%arg0: i32) -> (i32, i32, i32) {
    %c0_i32 = arith.constant 0 : i32
    %c0_i32_0 = arith.constant 0 : i32
    %c0_i32_1 = arith.constant 0 : i32
    return %c0_i32, %arg0, %c0_i32_0 : i32, i32, i32
  }
  func.func @transform_3(%arg0: i32) -> (i32, i32) {
    %c0_i32 = arith.constant 0 : i32
    %c0_i32_0 = arith.constant 0 : i32
    return %arg0, %c0_i32 : i32, i32
  }
}

module attributes {stable_mosaic.version = 14 : i64} {
  func.func @_scale_body(%arg0: i32, %arg1: memref<1024x128xf32, #tpu.memory_space<vmem>>, %arg2: memref<2x1024x16xf32, #tpu.memory_space<vmem>>, %arg3: memref<1024x128xf32, #tpu.memory_space<vmem>>) attributes {dimension_semantics = [#tpu.dimension_semantics<arbitrary>], iteration_bounds = array<i64: 10>, scalar_prefetch = 0 : i64, scratch_operands = 0 : i64, tpu.core_type = #tpu.core_type<tc>, window_params = [{transform_indices = @transform_0, window_bounds = array<i64: 1024, 128>}, {transform_indices = @transform_1, window_bounds = array<i64: 2, 1024, 16>}, {transform_indices = @transform_2, window_bounds = array<i64: 1024, 128>}]} {
    %get3A = arith.constant 0 : index
    %get3A_0 = arith.constant 0 : index
    %get3A_1 = arith.constant 0 : index
    %get3A_2 = vector.load %arg2[%get3A, %get3A_0, %get3A_1] : memref<2x1024x16xf32, #tpu.memory_space<vmem>>, vector<1x1024x1xf32>
    %get3A_3 = vector.shape_cast %get3A_2 : vector<1x1024x1xf32> to vector<1024x1xf32>
    %get3A_4 = arith.constant 1 : index
    %get3A_5 = arith.constant 0 : index
    %get3A_6 = arith.constant 0 : index
    %get3A_7 = vector.load %arg2[%get3A_4, %get3A_5, %get3A_6] : memref<2x1024x16xf32, #tpu.memory_space<vmem>>, vector<1x1024x1xf32>
    %get3A_8 = vector.shape_cast %get3A_7 : vector<1x1024x1xf32> to vector<1024x1xf32>
    %add3A = arith.addf %get3A_3, %get3A_8 : vector<1024x1xf32>
    %add3A_9 = arith.constant 1.000000e+00 : f32
    %add3A_10 = vector.broadcast %add3A_9 : f32 to vector<1024x1xf32>
    %add3A_11 = arith.addf %add3A, %add3A_10 : vector<1024x1xf32>
    %get3A_12 = arith.constant 0 : index
    %get3A_13 = arith.constant 0 : index
    %get3A_14 = vector.load %arg1[%get3A_12, %get3A_13] : memref<1024x128xf32, #tpu.memory_space<vmem>>, vector<1024x128xf32>
    %rsqrt3A = math.rsqrt %add3A_11 : vector<1024x1xf32>
    %mul3A = vector.broadcast %rsqrt3A : vector<1024x1xf32> to vector<1024x128xf32>
    %mul3A_15 = arith.mulf %get3A_14, %mul3A : vector<1024x128xf32>
    %swap3A = arith.constant 0 : index
    %swap3A_16 = arith.constant 0 : index
    %swap3A_17 = vector.load %arg3[%swap3A, %swap3A_16] : memref<1024x128xf32, #tpu.memory_space<vmem>>, vector<1024x128xf32>
    tpu.vector_store %arg3[%swap3A, %swap3A_16], %mul3A_15 {strides = array<i32>} : memref<1024x128xf32, #tpu.memory_space<vmem>>, vector<1024x128xf32>,
    return
  }
  func.func @transform_0(%arg0: i32) -> (i32, i32) {
    %c0_i32 = arith.constant 0 : i32
    %c0_i32_0 = arith.constant 0 : i32
    return %arg0, %c0_i32 : i32, i32
  }
  func.func @transform_1(%arg0: i32) -> (i32, i32, i32) {
    %c0_i32 = arith.constant 0 : i32
    %c0_i32_0 = arith.constant 0 : i32
    %c0_i32_1 = arith.constant 0 : i32
    return %c0_i32, %arg0, %c0_i32_0 : i32, i32, i32
  }
  func.func @transform_2(%arg0: i32) -> (i32, i32) {
    %c0_i32 = arith.constant 0 : i32
    %c0_i32_0 = arith.constant 0 : i32
    return %arg0, %c0_i32 : i32, i32
  }
}

module attributes {stable_mosaic.version = 14 : i64} {
  func.func @_out_body(%arg0: i32, %arg1: memref<2x1024x128xf32, #tpu.memory_space<vmem>>, %arg2: memref<1024x128xf32, #tpu.memory_space<vmem>>, %arg3: memref<2x1024x16xf32, #tpu.memory_space<vmem>>, %arg4: memref<128x128xf32, #tpu.memory_space<vmem>>, %arg5: memref<1x128xf32, #tpu.memory_space<vmem>>, %arg6: memref<1024x128xf32, #tpu.memory_space<vmem>>) attributes {dimension_semantics = [#tpu.dimension_semantics<arbitrary>], iteration_bounds = array<i64: 10>, scalar_prefetch = 0 : i64, scratch_operands = 0 : i64, tpu.core_type = #tpu.core_type<tc>, window_params = [{transform_indices = @transform_0, window_bounds = array<i64: 2, 1024, 128>}, {transform_indices = @transform_1, window_bounds = array<i64: 1024, 128>}, {transform_indices = @transform_2, window_bounds = array<i64: 2, 1024, 16>}, {pipeline_mode = #tpu.pipeline_mode<synchronous>, transform_indices = @transform_3, window_bounds = array<i64: 128, 128>}, {pipeline_mode = #tpu.pipeline_mode<synchronous>, transform_indices = @transform_4, window_bounds = array<i64: 1, 128>}, {transform_indices = @transform_5, window_bounds = array<i64: 1024, 128>}]} {
    %get3A = arith.constant 0 : index
    %get3A_0 = arith.constant 0 : index
    %get3A_1 = arith.constant 0 : index
    %get3A_2 = vector.load %arg3[%get3A, %get3A_0, %get3A_1] : memref<2x1024x16xf32, #tpu.memory_space<vmem>>, vector<1x1024x1xf32>
    %get3A_3 = vector.shape_cast %get3A_2 : vector<1x1024x1xf32> to vector<1024x1xf32>
    %get3A_4 = arith.constant 1 : index
    %get3A_5 = arith.constant 0 : index
    %get3A_6 = arith.constant 0 : index
    %get3A_7 = vector.load %arg3[%get3A_4, %get3A_5, %get3A_6] : memref<2x1024x16xf32, #tpu.memory_space<vmem>>, vector<1x1024x1xf32>
    %get3A_8 = vector.shape_cast %get3A_7 : vector<1x1024x1xf32> to vector<1024x1xf32>
    %add3A = arith.addf %get3A_3, %get3A_8 : vector<1024x1xf32>
    %add3A_9 = arith.constant 1.000000e+00 : f32
    %add3A_10 = vector.broadcast %add3A_9 : f32 to vector<1024x1xf32>
    %add3A_11 = arith.addf %add3A, %add3A_10 : vector<1024x1xf32>
    %get3A_12 = arith.constant 0 : index
    %get3A_13 = arith.constant 0 : index
    %get3A_14 = arith.constant 0 : index
    %get3A_15 = vector.load %arg1[%get3A_12, %get3A_13, %get3A_14] : memref<2x1024x128xf32, #tpu.memory_space<vmem>>, vector<1x1024x128xf32>
    %get3A_16 = vector.shape_cast %get3A_15 : vector<1x1024x128xf32> to vector<1024x128xf32>
    %get3A_17 = arith.constant 1 : index
    %get3A_18 = arith.constant 0 : index
    %get3A_19 = arith.constant 0 : index
    %get3A_20 = vector.load %arg1[%get3A_17, %get3A_18, %get3A_19] : memref<2x1024x128xf32, #tpu.memory_space<vmem>>, vector<1x1024x128xf32>
    %get3A_21 = vector.shape_cast %get3A_20 : vector<1x1024x128xf32> to vector<1024x128xf32>
    %add3A_22 = arith.addf %get3A_16, %get3A_21 : vector<1024x128xf32>
    %get3A_23 = arith.constant 0 : index
    %get3A_24 = arith.constant 0 : index
    %get3A_25 = vector.load %arg2[%get3A_23, %get3A_24] : memref<1024x128xf32, #tpu.memory_space<vmem>>, vector<1024x128xf32>
    %add3A_26 = arith.addf %add3A_22, %get3A_25 : vector<1024x128xf32>
    %rsqrt3A = math.rsqrt %add3A_11 : vector<1024x1xf32>
    %mul3A = vector.broadcast %rsqrt3A : vector<1024x1xf32> to vector<1024x128xf32>
    %mul3A_27 = arith.mulf %add3A_26, %mul3A : vector<1024x128xf32>
    %get3A_28 = arith.constant 0 : index
    %get3A_29 = arith.constant 0 : index
    %get3A_30 = vector.load %arg4[%get3A_28, %get3A_29] : memref<128x128xf32, #tpu.memory_space<vmem>>, vector<128x128xf32>
    %dot_general3A = arith.constant dense<0.000000e+00> : vector<1024x128xf32>
    %dot_general3A_31 = tpu.matmul %mul3A_27, %get3A_30, %dot_general3A {dimension_numbers = #tpu.dot_dimension_numbers<[1], [0], [0], [1], [0, 0, 1, 1], [], []>, transpose_lhs_hint = false} : vector<1024x128xf32>, vector<128x128xf32>, vector<1024x128xf32> -> vector<1024x128xf32>
    %get3A_32 = arith.constant 0 : index
    %get3A_33 = arith.constant 0 : index
    %get3A_34 = vector.load %arg5[%get3A_32, %get3A_33] : memref<1x128xf32, #tpu.memory_space<vmem>>, vector<1x128xf32>
    %add3A_35 = vector.broadcast %get3A_34 : vector<1x128xf32> to vector<1024x128xf32>
    %add3A_36 = arith.addf %dot_general3A_31, %add3A_35 : vector<1024x128xf32>
    %swap3A = arith.constant 0 : index
    %swap3A_37 = arith.constant 0 : index
    %swap3A_38 = vector.load %arg6[%swap3A, %swap3A_37] : memref<1024x128xf32, #tpu.memory_space<vmem>>, vector<1024x128xf32>
    tpu.vector_store %arg6[%swap3A, %swap3A_37], %add3A_36 {strides = array<i32>} : memref<1024x128xf32, #tpu.memory_space<vmem>>, vector<1024x128xf32>,
    return
  }
  func.func @transform_0(%arg0: i32) -> (i32, i32, i32) {
    %c0_i32 = arith.constant 0 : i32
    %c0_i32_0 = arith.constant 0 : i32
    %c0_i32_1 = arith.constant 0 : i32
    return %c0_i32, %arg0, %c0_i32_0 : i32, i32, i32
  }
  func.func @transform_1(%arg0: i32) -> (i32, i32) {
    %c0_i32 = arith.constant 0 : i32
    %c0_i32_0 = arith.constant 0 : i32
    return %arg0, %c0_i32 : i32, i32
  }
  func.func @transform_2(%arg0: i32) -> (i32, i32, i32) {
    %c0_i32 = arith.constant 0 : i32
    %c0_i32_0 = arith.constant 0 : i32
    %c0_i32_1 = arith.constant 0 : i32
    return %c0_i32, %arg0, %c0_i32_0 : i32, i32, i32
  }
  func.func @transform_3(%arg0: i32) -> (i32, i32) {
    %c0_i32 = arith.constant 0 : i32
    %c0_i32_0 = arith.constant 0 : i32
    %c0_i32_1 = arith.constant 0 : i32
    return %c0_i32, %c0_i32_0 : i32, i32
  }
  func.func @transform_4(%arg0: i32) -> (i32, i32) {
    %c0_i32 = arith.constant 0 : i32
    %c0_i32_0 = arith.constant 0 : i32
    %c0_i32_1 = arith.constant 0 : i32
    return %c0_i32, %c0_i32_0 : i32, i32
  }
  func.func @transform_5(%arg0: i32) -> (i32, i32) {
    %c0_i32 = arith.constant 0 : i32
    %c0_i32_0 = arith.constant 0 : i32
    return %arg0, %c0_i32 : i32, i32
  }
}

</mosaic_0001>

<sc_bundles>
// kernel: kernel.11.cloned.1.call-start
scs
__scs_entry_jumppad:
0x0: {  	(pc) =	sbr.rel $0x88, $3  }
0x1: {  	(tag) =	ssettag $0x0;
	lr =	simm.s32 $0x1  }
0x2: {  	[smem:$0x3F9D] =	sst lr;
	_ =	strace $0xD0000000  }
0x3: {  	_ = 	snop  }
0x4: {  	_ = 	snop  }
0x5: {  	_ = 	snop  }
0x6: {  	_ = 	snop  }
0x7: {  	_ = 	snop  }
__scs_overlays_trampoline_lowered:
0x8: {  	[smem:$0x3FAC] =	sst s0  }
0x9: {  	[smem:$0x3FAD] =	sst s1  }
0xa: {  	[smem:$0x3FAE] =	sst s2  }
0xb: {  	[smem:$0x3FAF] =	sst s3  }
0xc: {  	[smem:$0x3FB0] =	sst s4  }
0xd: {  	[smem:$0x3FB1] =	sst s5  }
0xe: {  	[smem:$0x3FB2] =	sst s6  }
0xf: {  	[smem:$0x3FB3] =	sst s7  }
0x10: {  	[smem:$0x3FB4] =	sst s8  }
0x11: {  	[smem:$0x3FB5] =	sst s9;
	s0 =	simm.s32 @!p0 $0x0  }
0x12: {  	s1 =	sld [smem:$0x3F9B];
	s0 =	simm.s32 @p0 $0x1  }
0x13: {  	[smem:$0x3FB6] =	sst s0;
	s0 =	simm.s32 @!p1 $0x0  }
0x14: {  	s2 =	sld [smem:$0x3F9A];
	s0 =	simm.s32 @p1 $0x1  }
0x15: {  	[smem:$0x3FB7] =	sst s0;
	s0 =	simm.s32 @!p2 $0x0  }
0x16: {  	s3 =	sld [smem:$0x3FDB];
	s0 =	simm.s32 @p2 $0x1  }
0x17: {  	s4 =	simm.s32 $0x1BF5;
	[smem:$0x3FB9] =	sst s0  }
0x18: {  	s0 =	sld [smem:$0x3F9C];
	_ =	swait.ge [sflag:s4], $0x0  }
0x19: {  	s7 =	sld [smem:$0x3F9D]  }
0x1a: {  	s8 =	sadd.s32 $0xFFFFE003, lr  }
0x1b: {  	s9 =	sadd.s32 $0xFFFFFEF7, lr;
	s5 =	simm.s32 $0xFFFFFFFF;
	p2 =	slt.u32 s8, $0xFFFFF086  }
0x1c: {  	p1 =	slt.u32 s9, $0xF7A;
	s5 =	simm.s32 @!p2 $0x0  }
0x1d: {  	s5 =	simm.s32 @p1 $0x1;
	p0 =	seq.s32 s7, s2  }
0x1e: {  	s7 =	smul.u32 @!p0 $0xF7A, s2;
	p2 =	seq.s32 @!p0 s5, $0x0  }
0x1f: {  	s9 =	smul.u32 $0xF7A, s1;
	s8 =	simm.s32 @!p0 $0x1BF5;
	p2 =	por !p2, p0  }
0x20: {  	[sflag:s8] =	ssyncset.s32 @!p0 $0xFFFFF086;
	s6 =	sadd.s32 @!p0 s3, s7;
	s7 =	simm.s32 @!p0 $0x108  }
0x21: {  	s3 =	sadd.s32 s3, s9;
	s6 =	sadd.s32 @!p0 $0x88, s6;
	s7 =	simm.s32 @p2 $0x1082  }
0x22: {  	[simem:s7], [sflag:s8] =	dma.local @!p0 [hbm:s6], $0xF7A  }
0x23: {  	s9 =	sor.u32 $0xD0000000, s2;
	s6 =	simm.s32 $0x108;
	_ =	swait.ge @!p0 [sflag:s8], $0x0  }
0x24: {  	s3 =	sadd.s32 $0x88, s3;
	s6 =	simm.s32 @!p1 $0x1082;
	[sflag:s4] =	ssyncset.s32 $0xFFFFF086  }
0x25: {  	[simem:s6], [sflag:s4] =	dma.local [hbm:s3], $0xF7A  }
0x26: {  	[smem:$0x3F9D] =	sst s1;
	(tag) =	ssettag s2;
	_ =	strace s9  }
0x27: {  	s1 =	sld [smem:$0x3FAD]  }
0x28: {  	s2 =	sld [smem:$0x3FAE]  }
0x29: {  	s4 =	sld [smem:$0x3FB0]  }
0x2a: {  	p0 =	seq.s32 s5, $0x0;
	s5 =	sld [smem:$0x3FB1]  }
0x2b: {  	s6 =	sld [smem:$0x3FB2]  }
0x2c: {  	s7 =	sld [smem:$0x3FB3]  }
0x2d: {  	s3 =	simm.s32 $0x108;
	s8 =	sld [smem:$0x3FB4]  }
0x2e: {  	s3 =	simm.s32 @!p0 $0x1082;
	s9 =	sld [smem:$0x3FB5]  }
0x2f: {  	lr =	sadd.s32 s0, s3;
	s0 =	sld [smem:$0x3FAC]  }
0x30: {  	s3 =	sld [smem:$0x3FAF]  }
0x31: {  	[smem:$0x3FB8] =	sst s10  }
0x32: {  	s10 =	sld [smem:$0x3FB6];
	_ =	sdelay $0x3  }
0x33: {  	p0 =	seq.s32 s10, $0x1;
	s10 =	sld [smem:$0x3FB8];
	_ =	sdelay $0x3  }
0x34: {  	[smem:$0x3FB8] =	sst s10  }
0x35: {  	s10 =	sld [smem:$0x3FB7];
	_ =	sdelay $0x3  }
0x36: {  	p1 =	seq.s32 s10, $0x1;
	s10 =	sld [smem:$0x3FB8];
	_ =	sdelay $0x3  }
0x37: {  	[smem:$0x3FB8] =	sst s10  }
0x38: {  	s10 =	sld [smem:$0x3FB9]  }
0x39: {  	_ = 	snop;
	(pc) =	sbr.ind lr, $3  }
0x3a: {  	_ = 	snop  }
0x3b: {  	_ = 	snop  }
0x3c: {  	p2 =	seq.s32 s10, $0x1;
	s10 =	sld [smem:$0x3FB8]  }
0x3d: {  	_ =	shalt  }
0x3e: {  	_ =	shalt  }
0x3f: {  	_ =	shalt  }
0x40: {  	_ =	shalt  }
0x41: {  	_ =	shalt  }
0x42: {  	_ =	shalt  }
0x43: {  	_ =	shalt  }
0x44: {  	_ =	shalt  }
0x45: {  	_ =	shalt  }
0x46: {  	_ =	shalt  }
0x47: {  	_ =	shalt  }
0x48: {  	_ =	shalt  }
0x49: {  	_ =	shalt  }
0x4a: {  	_ =	shalt  }
0x4b: {  	_ =	shalt  }
0x4c: {  	_ =	shalt  }
0x4d: {  	_ =	shalt  }
0x4e: {  	_ =	shalt  }
0x4f: {  	_ =	shalt  }
0x50: {  	_ =	shalt  }
0x51: {  	_ =	shalt  }
0x52: {  	_ =	shalt  }
0x53: {  	_ =	shalt  }
0x54: {  	_ =	shalt  }
0x55: {  	_ =	shalt  }
0x56: {  	_ =	shalt  }
0x57: {  	_ =	shalt  }
0x58: {  	_ =	shalt  }
0x59: {  	_ =	shalt  }
0x5a: {  	_ =	shalt  }
0x5b: {  	_ =	shalt  }
0x5c: {  	_ =	shalt  }
0x5d: {  	_ =	shalt  }
0x5e: {  	_ =	shalt  }
0x5f: {  	_ =	shalt  }
0x60: {  	_ =	shalt  }
0x61: {  	_ =	shalt  }
0x62: {  	_ =	shalt  }
0x63: {  	_ =	shalt  }
0x64: {  	_ =	shalt  }
0x65: {  	_ =	shalt  }
0x66: {  	_ =	shalt  }
0x67: {  	_ =	shalt  }
0x68: {  	_ =	shalt  }
0x69: {  	_ =	shalt  }
0x6a: {  	_ =	shalt  }
0x6b: {  	_ =	shalt  }
0x6c: {  	_ =	shalt  }
0x6d: {  	_ =	shalt  }
0x6e: {  	_ =	shalt  }
0x6f: {  	_ =	shalt  }
0x70: {  	_ =	shalt  }
0x71: {  	_ =	shalt  }
0x72: {  	_ =	shalt  }
0x73: {  	_ =	shalt  }
0x74: {  	_ =	shalt  }
0x75: {  	_ =	shalt  }
0x76: {  	_ =	shalt  }
0x77: {  	_ =	shalt  }
0x78: {  	_ =	shalt  }
0x79: {  	_ =	shalt  }
0x7a: {  	_ =	shalt  }
0x7b: {  	_ =	shalt  }
0x7c: {  	_ =	shalt  }
0x7d: {  	_ =	shalt  }
0x7e: {  	_ =	shalt  }
0x7f: {  	_ =	shalt  }
0x80: {  	_ =	shalt  }
0x81: {  	_ =	shalt  }
0x82: {  	_ =	shalt  }
0x83: {  	_ =	shalt  }
0x84: {  	_ =	shalt  }
0x85: {  	_ =	shalt  }
0x86: {  	_ =	shalt  }
0x87: {  	_ =	shalt  }
.Lfunc_end0:
.L_simem_size_0:
called_computation.1_lowered:
.L_overlay_start_0:
0x88: {  	s2 =	sld [smem:$0x3FD9]  }
0x89: {  	s3 =	sld [smem:$0x3FFE];
	_ =	sdelay $0x1  }
0x8a: {  	s1 =	srdreg.scid  }
0x8b: {  	s0 =	sand.u32 $0x1, s1  }
0x8c: {  	s17 =	sshll.u32 s0, $0xA;
	s2 =	sadd.s32 s3, s2  }
0x8d: {  	s2 =	sadd.s32 s2, s17  }
0x8e: {  	[smem:$0x3FC4] =	sst s2  }
0x8f: {  	_ = 	snop  }
0x90: {  	s2 =	sld [smem:$0x3FD0];
	(tm) =	ssettm $0x1  }
0x91: {  	s18 =	sld [smem:$0x3FFB];
	_ =	sdelay $0x3  }
0x92: {  	_ =	strace s18  }
0x93: {  	s3 =	sld [smem:$0x3FFC];
	_ =	sdelay $0x3  }
0x94: {  	_ =	strace s3  }
0x95: {  	s3 =	sld [smem:$0x3FFD];
	_ =	sdelay $0x3  }
0x96: {  	_ =	strace s3  }
0x97: {  	_ =	strace $0x8FFFFFFF  }
0x98: {  	s19 =	sld [smem:$0x3FDB];
	_ =	sdelay $0x1  }
0x99: {  	s4 =	simm.s32 $_scs_section_size  }
0x9a: {  	s5 =	simm.s32 $_size__tile_overlayer_lowered;
	s6 =	simm.s32 $_tile_overlayer_lowered  }
0x9b: {  	s22 =	simm.s32 $0x1BFF;
	s21 =	sshll.u32 s6, $0x1;
	s3 =	sadd.s32 s4, s19  }
0x9c: {  	s7 =	simm.s32 $0x0;
	s20 =	sshll.u32 s5, $0x1;
	s5 =	sadd.s32 s21, s3  }
0x9d: {  	[timem:s7], [sflag:s22] =	dma.local [hbm:s5], s20  }
0x9e: {  	_ =	swait.ge [sflag:s22], s20  }
0x9f: {  	s4 =	ssub.s32 $0x0, s20;
	[sflag:s22] =	ssyncset.done $0x0  }
0xa0: {  	[sflag:s22] =	ssyncadd.s32 s4;
	_ =	sdelay $0x1  }
0xa1: {  	s23 =	simm.s32 $0x1B8B  }
0xa2: {  	_ =	swait.ge [sflag:s23], $0x1  }
0xa3: {  	[sflag:s23] =	ssyncset.done $0x0  }
0xa4: {  	s25 =	simm.s32 $0x1B8E;
	s24 =	sld [smem:$0x3FFE];
	[sflag:s23] =	ssyncadd.s32 $0xFFFFFFFF  }
0xa5: {  	s26 =	simm.s32 $execute0_lowered;
	[smem:$0x3FD2] =	sst s25  }
0xa6: {  	s5 =	sshll.u32 s26, $0x1;
	_ =	strace $0x80000049;
	[dreg:$0x1] =	wrdreg $0xFFFFFFFF  }
0xa7: {  	s28 =	simm.s32 $_size_execute0_lowered;
	s3 =	sadd.s32 s3, s5;
	[dreg:$0x0] =	wrdreg $0x0  }
0xa8: {  	s5 =	sshll.u32 s28, $0x1;
	[dreg:$0x2] =	wrdreg s3  }
0xa9: {  	[dreg:$0x3] =	wrdreg s5  }
0xaa: {  	[dreg:$0x4] =	wrdreg $0xC0  }
0xab: {  	_ =	task [dreg:s7], $0x5FFFF  }
0xac: {  	[dreg:$0x1] =	wrdreg $0xFFFFFFFF  }
0xad: {  	[dreg:$0x0] =	wrdreg $0x60  }
0xae: {  	[dreg:$0x2] =	wrdreg s24  }
0xaf: {  	[dreg:$0x3] =	wrdreg s2  }
0xb0: {  	[dreg:$0x4] =	wrdreg $0x82000  }
0xb1: {  	[dreg:$0x5] =	wrdreg $0x9  }
0xb2: {  	_ =	task.clear_ibuf [dreg:s7], $0x6FFFF;
	_ =	strace $0x90000049  }
0xb3: {  	s29 =	simm.s32 $0x9;
	_ =	strace $0x8000004F  }
0xb4: {  	_ =	swait.ge [sflag:s29], $0x1  }
0xb5: {  	[sflag:s29] =	ssyncadd.s32 $0xFFFFFFFF  }
0xb6: {  	_ =	strace $0x9000004F  }
0xb7: {  	_ =	sfence  }
0xb8: {  	s30 =	sld [smem:$0x0];
	_ =	sdelay $0x2  }
0xb9: {  	s31 =	sshll.u32 s1, $0xD;
	s1 =	sshrl.u32 s1, $0x2  }
0xba: {  	s3 =	sand.u32 $0x4000, s31;
	s1 =	sadd.s32 s1, s30  }
0xbb: {  	s0 =	sor.u32 s3, s0;
	s1 =	sshll.u32 s1, $0x11  }
0xbc: {  	s0 =	sor.u32 s1, s0  }
0xbd: {  	s0 =	sadd.s32 $0x8F2B, s0  }
0xbe: {  	[sflag:s0] =	ssyncadd.remote.s32 $0x1  }
0xbf: {  	_ =	sfence.sel $0xFFFF  }
0xc0: {  	[dreg:$0x0] =	wrdreg $0xFFFFFFFF;
	(pc) =	sbr.abs _section_cstart, $3  }
0xc1: {  	[dreg:$0x1] =	wrdreg $0xFFFFFFFF  }
0xc2: {  	_ =	task.clear_ibuf [dreg:s7], $0x2FFFF;
	_ =	strace $0x9FFFFFFF  }
0xc3: {  	(tm) =	ssettm $0x7FFFFFFF  }
tec
execute0_lowered:
.L_overlay_start_1:
0x0: {  	(tag) =	ssettag $0x1  }
0x1: {  	s5 =	rddreg [dreg:$0x0]  }
0x2: {  	s13 =	rddreg [dreg:$0x1]  }
0x3: {  	s0 =	srdreg.scid;
	s2 =	rddreg [dreg:$0x2]  }
0x4: {  	s1 =	stileid.u32;
	s3 =	simm.s32 $0x0;
	s16 =	simm.s32 $0x200  }
0x5: {  	s17 =	simm.s32 $0x3;
	s18 =	simm.s32 $0x80;
	s19 =	simm.s32 $0x100  }
0x6: {  	s20 =	simm.s32 $0x1;
	s21 =	simm.s32 $0x4200;
	s7 =	smul.u32 $0x14000, s1  }
0x7: {  	s22 =	simm.s32 $0x2;
	s23 =	simm.s32 $0x180;
	s9 =	smul.u32 $0x50000, s1  }
0x8: {  	s6 =	sand.u32 $0x1, s0;
	s0 =	rddreg [dreg:$0x3];
	s31 =	smul.u32 $0x50, s1  }
0x9: {  	s24 =	simm.s32 $0x0;
	[smem:$0x7FF] =	sst s3;
	s4 =	smul.u32 $0x140000, s6  }
0xa: {  	_ =	strace $0x8000004A;
	s8 =	ssub.s32 $0x2, s6;
	s30 =	sshll.u32 s6, $0x4  }
0xb: {  	s10 =	smul.u32 $0x500, s6;
	s29 =	sshrl.u32 s8, $0x1;
	s9 =	sshrl.u32 s9, $0x2  }
0xc: {  	s12 =	sor.u32 s1, s30;
	s4 =	sadd.s32 s7, s4;
	s14 =	ssub.s32 s8, s29  }
0xd: {  	s12 =	smul.u32 $0xA00, s12;
	s15 =	sadd.s32 s31, s10;
	s7 =	sshrl.u32 s4, $0x3  }
0xe: {  	s4 =	sadd.s32 $0x5C200, s5;
	s15 =	sshll.u32 s15, $0x5;
	s11 =	sadd.s32 s7, s5  }
0xf: {  	s5 =	sadd.s32 s9, s2;
	s10 =	sadd.s32 s13, s12;
	s12 =	smax.u32 s14, $0x1  }
0x10: {  	s15 =	sadd.s32 s15, s13;
	s6 =	sadd.s32 $0x4000, s5;
	s7 =	sadd.s32 $0x8000, s5  }
0x11: {  	s8 =	sadd.s32 $0xC000, s5;
	s9 =	sadd.s32 $0x10000, s5;
	s11 =	sadd.s32 $0x84200, s11  }
0x12: {  	v0 =	vimm.f32 $0.0e+00;
	s13 =	sadd.s32 $0x9E0, s10;
	s14 =	sadd.s32 $0x40, s15;
	s15 =	sadd.s32 $0x20, s15  }
.LBB2_1:
0x13: {  	_ =	strace $0x8000004B;
	s25 =	simm.s32 $0x0;
	s26 =	simm.s32 $0x200  }
.LBB2_2:
0x14: {  	p0 =	sne.s32 s26, $0xFE00;
	[tilespmem:s25+$0x270] =	vst v0  }
0x15: {  	[tilespmem:s25+$0x200] =	vst v0  }
0x16: {  	[tilespmem:s25+$0x210] =	vst v0  }
.Ltmp0:
0x17: {  	[tilespmem:s25+$0x220] =	vst v0;
	(pc) =	sbr.rel @p0 .LBB2_2-.Ltmp0, $4  }
0x18: {  	[tilespmem:s25+$0x230] =	vst v0  }
0x19: {  	[tilespmem:s25+$0x240] =	vst v0  }
0x1a: {  	[tilespmem:s25+$0x250] =	vst v0  }
0x1b: {  	[tilespmem:s25+$0x260] =	vst v0;
	s25 =	sshra.s32 s26, $0x2;
	s26 =	sadd.s32 $0x200, s26  }
0x1c: {  	[tilespmem:s25+$0x270] =	vst v0  }
0x1d: {  	[tilespmem:s25+$0x200] =	vst v0  }
0x1e: {  	[tilespmem:s25+$0x210] =	vst v0  }
0x1f: {  	[tilespmem:s25+$0x220] =	vst v0  }
0x20: {  	[tilespmem:s25+$0x230] =	vst v0  }
0x21: {  	[tilespmem:s25+$0x240] =	vst v0  }
0x22: {  	[tilespmem:s25+$0x250] =	vst v0  }
0x23: {  	[tilespmem:s25+$0x260] =	vst v0  }
0x24: {  	_ =	strace $0x9000004B  }
0x25: {  	_ =	strace $0x8000004C  }
0x26: {  	[spmem:s5] =	stream.linear.scatter [tilespmem:s16], [sflag:$0x3], $0x4000, $0x200038;
	[tilespmem:$0x1C200] =	vst v63  }
0x27: {  	_ =	swait.ge [sflag:s17], $0x4000  }
0x28: {  	[sflag:s17] =	ssyncset.done $0x0  }
0x29: {  	[sflag:s17] =	ssyncadd.s32 $0xFFFFC000  }
0x2a: {  	[spmem:s6] =	stream.linear.scatter [tilespmem:s16], [sflag:$0x3], $0x4000, $0x200038;
	[tilespmem:$0x1C200] =	vst v63  }
0x2b: {  	_ =	swait.ge [sflag:s17], $0x4000  }
0x2c: {  	[sflag:s17] =	ssyncset.done $0x0  }
0x2d: {  	[sflag:s17] =	ssyncadd.s32 $0xFFFFC000  }
0x2e: {  	[spmem:s7] =	stream.linear.scatter [tilespmem:s16], [sflag:$0x3], $0x4000, $0x200038;
	[tilespmem:$0x1C200] =	vst v63  }
0x2f: {  	_ =	swait.ge [sflag:s17], $0x4000  }
0x30: {  	[sflag:s17] =	ssyncset.done $0x0  }
0x31: {  	[sflag:s17] =	ssyncadd.s32 $0xFFFFC000  }
0x32: {  	[spmem:s8] =	stream.linear.scatter [tilespmem:s16], [sflag:$0x3], $0x4000, $0x200038;
	[tilespmem:$0x1C200] =	vst v63  }
0x33: {  	_ =	swait.ge [sflag:s17], $0x4000  }
0x34: {  	[sflag:s17] =	ssyncset.done $0x0  }
0x35: {  	[sflag:s17] =	ssyncadd.s32 $0xFFFFC000  }
0x36: {  	[spmem:s9] =	stream.linear.scatter [tilespmem:s16], [sflag:$0x3], $0x4000, $0x200038;
	[tilespmem:$0x1C200] =	vst v63  }
0x37: {  	_ =	swait.ge [sflag:s17], $0x4000  }
0x38: {  	[sflag:s17] =	ssyncset.done $0x0  }
0x39: {  	[sflag:s17] =	ssyncadd.s32 $0xFFFFC000  }
0x3a: {  	[bflag:$0x0] =	sbarrier.arrive $0xFFFF  }
0x3b: {  	_ =	strace $0x9000004C  }
0x3c: {  	s29 =	simm.s32 $0x0;
	_ =	strace $0x8000004D  }
0x3d: {  	[tilespmem:s29], [sflag:$0x3] =	stream.linear.gather [hbm4b:s10+s29], $0x100, $0x200038;
	[tilespmem:$0x1C200] =	vst v63  }
0x3e: {  	_ =	swait.ge [sflag:s17], $0x100  }
0x3f: {  	[sflag:s17] =	ssyncset.done $0x0  }
0x40: {  	[sflag:s17] =	ssyncadd.s32 $0xFFFFFF00  }
0x41: {  	[tilespmem:s16], [sflag:$0x1] =	stream.indirect.gather [hbm4b:s4+s18], $0x80, s29, s18, $0x2000b8;
	[tilespmem:$0x1C200] =	vst v63  }
0x42: {  	s30 =	sadd.s32 $0x0, s15  }
0x43: {  	[tilespmem:s19], [sflag:$0x3] =	stream.linear.gather [hbm4b:s30+s3], $0x100, $0x200038;
	[tilespmem:$0x1C200] =	vst v63  }
0x44: {  	_ =	swait.ge [sflag:s17], $0x100  }
0x45: {  	[sflag:s17] =	ssyncset.done $0x0  }
0x46: {  	[sflag:s17] =	ssyncadd.s32 $0xFFFFFF00  }
0x47: {  	_ =	swait.ge [sflag:s20], $0x4000  }
0x48: {  	[sflag:s20] =	ssyncset.done $0x0  }
0x49: {  	[sflag:s20] =	ssyncadd.s32 $0xFFFFC000  }
0x4a: {  	[tilespmem:s21], [sflag:$0x2] =	stream.indirect.gather [hbm4b:s4+s18], $0x80, s19, s18, $0x2000b8;
	[tilespmem:$0x1C200] =	vst v63  }
0x4b: {  	_ = 	snop  }
0x4c: {  	[spmem:s2] =	stream.indirect.scatter.add.f32 [tilespmem:s16], [sflag:$0x3], $0x80, s18, s18, $0x2000b8;
	[tilespmem:$0x1C200] =	vst v63  }
0x4d: {  	_ =	swait.ge [sflag:s17], $0x4000  }
0x4e: {  	[sflag:s17] =	ssyncset.done $0x0  }
0x4f: {  	s31 =	sadd.s32 $0x0, s14;
	[sflag:s17] =	ssyncadd.s32 $0xFFFFC000  }
0x50: {  	[tilespmem:s3], [sflag:$0x3] =	stream.linear.gather [hbm4b:s31+s3], $0x100, $0x200038;
	[tilespmem:$0x1C200] =	vst v63  }
0x51: {  	_ =	swait.ge [sflag:s17], $0x100  }
0x52: {  	[sflag:s17] =	ssyncset.done $0x0  }
0x53: {  	[sflag:s17] =	ssyncadd.s32 $0xFFFFFF00  }
0x54: {  	_ =	swait.ge [sflag:s22], $0x4000  }
0x55: {  	[sflag:s22] =	ssyncset.done $0x0  }
0x56: {  	[sflag:s22] =	ssyncadd.s32 $0xFFFFC000  }
0x57: {  	[tilespmem:s16], [sflag:$0x1] =	stream.indirect.gather [hbm4b:s4+s18], $0x80, s3, s18, $0x2000b8;
	[tilespmem:$0x1C200] =	vst v63  }
0x58: {  	_ = 	snop  }
0x59: {  	[spmem:s2] =	stream.indirect.scatter.add.f32 [tilespmem:s21], [sflag:$0x3], $0x80, s23, s18, $0x2000b8;
	[tilespmem:$0x1C200] =	vst v63  }
0x5a: {  	_ =	swait.ge [sflag:s17], $0x4000  }
0x5b: {  	s25 =	simm.s32 $0x40;
	[sflag:s17] =	ssyncset.done $0x0  }
.LBB2_4:
0x5c: {  	p0 =	sne.s32 s25, $0x980  }
0x5d: {  	[sflag:s17] =	ssyncadd.s32 $0xFFFFC000;
	s26 =	smov.u32 s25;
	s25 =	sadd.s32 $0x40, s25  }
0x5e: {  	s28 =	sadd.s32 s26, s15  }
0x5f: {  	[tilespmem:s19], [sflag:$0x3] =	stream.linear.gather [hbm4b:s28+s3], $0x100, $0x200038;
	[tilespmem:$0x1C200] =	vst v63  }
0x60: {  	_ =	swait.ge [sflag:s17], $0x100  }
0x61: {  	[sflag:s17] =	ssyncset.done $0x0  }
0x62: {  	[sflag:s17] =	ssyncadd.s32 $0xFFFFFF00  }
0x63: {  	_ =	swait.ge [sflag:s20], $0x4000  }
0x64: {  	[sflag:s20] =	ssyncset.done $0x0  }
0x65: {  	[sflag:s20] =	ssyncadd.s32 $0xFFFFC000  }
0x66: {  	[tilespmem:s21], [sflag:$0x2] =	stream.indirect.gather [hbm4b:s4+s18], $0x80, s19, s18, $0x2000b8;
	[tilespmem:$0x1C200] =	vst v63  }
0x67: {  	_ = 	snop  }
0x68: {  	[spmem:s2] =	stream.indirect.scatter.add.f32 [tilespmem:s16], [sflag:$0x3], $0x80, s18, s18, $0x2000b8;
	[tilespmem:$0x1C200] =	vst v63  }
0x69: {  	_ =	swait.ge [sflag:s17], $0x4000  }
0x6a: {  	[sflag:s17] =	ssyncset.done $0x0  }
0x6b: {  	s26 =	sadd.s32 s26, s14;
	[sflag:s17] =	ssyncadd.s32 $0xFFFFC000  }
0x6c: {  	[tilespmem:s3], [sflag:$0x3] =	stream.linear.gather [hbm4b:s26+s3], $0x100, $0x200038;
	[tilespmem:$0x1C200] =	vst v63  }
0x6d: {  	_ =	swait.ge [sflag:s17], $0x100  }
0x6e: {  	[sflag:s17] =	ssyncset.done $0x0  }
0x6f: {  	[sflag:s17] =	ssyncadd.s32 $0xFFFFFF00  }
0x70: {  	_ =	swait.ge [sflag:s22], $0x4000  }
0x71: {  	[sflag:s22] =	ssyncset.done $0x0  }
0x72: {  	[sflag:s22] =	ssyncadd.s32 $0xFFFFC000  }
0x73: {  	[tilespmem:s16], [sflag:$0x1] =	stream.indirect.gather [hbm4b:s4+s18], $0x80, s3, s18, $0x2000b8;
	[tilespmem:$0x1C200] =	vst v63  }
.Ltmp1:
0x74: {  	_ = 	snop;
	(pc) =	sbr.rel @p0 .LBB2_4-.Ltmp1, $4  }
0x75: {  	_ = 	snop  }
0x76: {  	[spmem:s2] =	stream.indirect.scatter.add.f32 [tilespmem:s21], [sflag:$0x3], $0x80, s23, s18, $0x2000b8;
	[tilespmem:$0x1C200] =	vst v63  }
0x77: {  	_ =	swait.ge [sflag:s17], $0x4000  }
0x78: {  	[sflag:s17] =	ssyncset.done $0x0  }
0x79: {  	[sflag:s17] =	ssyncadd.s32 $0xFFFFC000  }
0x7a: {  	[tilespmem:s19], [sflag:$0x3] =	stream.linear.gather [hbm4b:s13+s3], $0x100, $0x200038;
	[tilespmem:$0x1C200] =	vst v63  }
0x7b: {  	_ =	swait.ge [sflag:s17], $0x100  }
0x7c: {  	[sflag:s17] =	ssyncset.done $0x0  }
0x7d: {  	[sflag:s17] =	ssyncadd.s32 $0xFFFFFF00  }
0x7e: {  	_ =	swait.ge [sflag:s20], $0x4000  }
0x7f: {  	[sflag:s20] =	ssyncset.done $0x0  }
0x80: {  	[sflag:s20] =	ssyncadd.s32 $0xFFFFC000  }
0x81: {  	[tilespmem:s21], [sflag:$0x2] =	stream.indirect.gather [hbm4b:s4+s18], $0x80, s19, s18, $0x2000b8;
	[tilespmem:$0x1C200] =	vst v63  }
0x82: {  	_ = 	snop  }
0x83: {  	[spmem:s2] =	stream.indirect.scatter.add.f32 [tilespmem:s16], [sflag:$0x3], $0x80, s18, s18, $0x2000b8;
	[tilespmem:$0x1C200] =	vst v63  }
0x84: {  	_ =	swait.ge [sflag:s17], $0x4000  }
0x85: {  	[sflag:s17] =	ssyncset.done $0x0  }
0x86: {  	[sflag:s17] =	ssyncadd.s32 $0xFFFFC000  }
0x87: {  	_ =	swait.ge [sflag:s22], $0x4000  }
0x88: {  	[sflag:s22] =	ssyncset.done $0x0  }
0x89: {  	[sflag:s22] =	ssyncadd.s32 $0xFFFFC000  }
0x8a: {  	[spmem:s2] =	stream.indirect.scatter.add.f32 [tilespmem:s21], [sflag:$0x3], $0x80, s23, s18, $0x2000b8;
	[tilespmem:$0x1C200] =	vst v63  }
0x8b: {  	_ =	swait.ge [sflag:s17], $0x4000  }
0x8c: {  	[sflag:s17] =	ssyncset.done $0x0  }
0x8d: {  	[sflag:s17] =	ssyncadd.s32 $0xFFFFC000  }
0x8e: {  	s25 =	sshll.u32 s1, $0x6;
	[bflag:$0x0] =	sbarrier.arrive $0xFFFF  }
0x8f: {  	s26 =	sshrl.u32 s5, $0x3;
	s24 =	sadd.s32 $0x1, s24;
	_ =	strace $0x9000004D  }
0x90: {  	s25 =	sor.u32 $0x1C03, s25;
	p0 =	sne.s32 s24, s12;
	_ =	strace $0x8000004E  }
0x91: {  	[hbm:s11], [sflag:s25] =	dma.local [spmem:s26], $0x2800  }
.Ltmp2:
0x92: {  	_ = 	snop;
	(pc) =	sbr.rel @p0 .LBB2_1-.Ltmp2, $4  }
0x93: {  	_ =	swait.ge [sflag:s17], $0x2800  }
0x94: {  	[sflag:s17] =	ssyncset.done $0x0  }
0x95: {  	[sflag:s17] =	ssyncadd.s32 $0xFFFFD800  }
0x96: {  	_ =	strace $0x9000004E  }
0x97: {  	_ =	sfence.sel $0x180000  }
0x98: {  	[bflag:$0x0] =	sbarrier.arrive $0xFFFF  }
0x99: {  	p0 =	sne.s32 s1, $0x0;
	_ =	strace $0x9000004A  }
0x9a: {  	s0 =	sadd.s32 @!p0 $0x100000, s0;
	[bflag:$0x2] =	sbarrier.arrive $0xFFFF  }
0x9b: {  	[sflag:s0] =	ssyncadd.tile.s32 @!p0 $0x1;
	_ =	shalt  }
.Lfunc_end2:
_tile_overlayer_lowered:
.L_overlay_start_2:
0x9c: {  	(tag) =	ssettag $0x2  }
0x9d: {  	s0 =	rddreg [dreg:$0x0];
	s2 =	stileid.u32  }
0x9e: {  	s1 =	rddreg [dreg:$0x1];
	p0 =	sne.s32 s2, $0x0  }
0x9f: {  	s3 =	rddreg [dreg:$0x2];
	[bflag:$0x3] =	sbarrier.arrive $0xFFFF;
	s2 =	simm.s32 @!p0 $0x1C03  }
0xa0: {  	[timem:s3], [sflag:s2] =	dma.local @!p0 [hbm:s0], s1  }
0xa1: {  	s0 =	simm.s32 @!p0 $0x3  }
0xa2: {  	_ =	swait.ge @!p0 [sflag:s0], s1  }
0xa3: {  	s1 =	ssub.s32 @!p0 $0x0, s1;
	[sflag:s0] =	ssyncset.done @!p0 $0x0  }
0xa4: {  	[sflag:s0] =	ssyncadd.s32 @!p0 s1  }
0xa5: {  	[bflag:$0x3] =	sbarrier.arrive $0xFFFF  }
0xa6: {  	_ =	shalt  }

// kernel: kernel.14.cloned.1.call-start
scs
__scs_entry_jumppad:
0x0: {  	(pc) =	sbr.rel $0x88, $3  }
0x1: {  	(tag) =	ssettag $0x0;
	lr =	simm.s32 $0x1  }
0x2: {  	[smem:$0x3F9D] =	sst lr;
	_ =	strace $0xD0000000  }
0x3: {  	_ = 	snop  }
0x4: {  	_ = 	snop  }
0x5: {  	_ = 	snop  }
0x6: {  	_ = 	snop  }
0x7: {  	_ = 	snop  }
__scs_overlays_trampoline_lowered:
0x8: {  	[smem:$0x3FAC] =	sst s0  }
0x9: {  	[smem:$0x3FAD] =	sst s1  }
0xa: {  	[smem:$0x3FAE] =	sst s2  }
0xb: {  	[smem:$0x3FAF] =	sst s3  }
0xc: {  	[smem:$0x3FB0] =	sst s4  }
0xd: {  	[smem:$0x3FB1] =	sst s5  }
0xe: {  	[smem:$0x3FB2] =	sst s6  }
0xf: {  	[smem:$0x3FB3] =	sst s7  }
0x10: {  	[smem:$0x3FB4] =	sst s8  }
0x11: {  	[smem:$0x3FB5] =	sst s9;
	s0 =	simm.s32 @!p0 $0x0  }
0x12: {  	s1 =	sld [smem:$0x3F9B];
	s0 =	simm.s32 @p0 $0x1  }
0x13: {  	[smem:$0x3FB6] =	sst s0;
	s0 =	simm.s32 @!p1 $0x0  }
0x14: {  	s2 =	sld [smem:$0x3F9A];
	s0 =	simm.s32 @p1 $0x1  }
0x15: {  	[smem:$0x3FB7] =	sst s0;
	s0 =	simm.s32 @!p2 $0x0  }
0x16: {  	s3 =	sld [smem:$0x3FDB];
	s0 =	simm.s32 @p2 $0x1  }
0x17: {  	s4 =	simm.s32 $0x1BF5;
	[smem:$0x3FB9] =	sst s0  }
0x18: {  	s0 =	sld [smem:$0x3F9C];
	_ =	swait.ge [sflag:s4], $0x0  }
0x19: {  	s7 =	sld [smem:$0x3F9D]  }
0x1a: {  	s8 =	sadd.s32 $0xFFFFE003, lr  }
0x1b: {  	s9 =	sadd.s32 $0xFFFFFEF7, lr;
	s5 =	simm.s32 $0xFFFFFFFF;
	p2 =	slt.u32 s8, $0xFFFFF086  }
0x1c: {  	p1 =	slt.u32 s9, $0xF7A;
	s5 =	simm.s32 @!p2 $0x0  }
0x1d: {  	s5 =	simm.s32 @p1 $0x1;
	p0 =	seq.s32 s7, s2  }
0x1e: {  	s7 =	smul.u32 @!p0 $0xF7A, s2;
	p2 =	seq.s32 @!p0 s5, $0x0  }
0x1f: {  	s9 =	smul.u32 $0xF7A, s1;
	s8 =	simm.s32 @!p0 $0x1BF5;
	p2 =	por !p2, p0  }
0x20: {  	[sflag:s8] =	ssyncset.s32 @!p0 $0xFFFFF086;
	s6 =	sadd.s32 @!p0 s3, s7;
	s7 =	simm.s32 @!p0 $0x108  }
0x21: {  	s3 =	sadd.s32 s3, s9;
	s6 =	sadd.s32 @!p0 $0x88, s6;
	s7 =	simm.s32 @p2 $0x1082  }
0x22: {  	[simem:s7], [sflag:s8] =	dma.local @!p0 [hbm:s6], $0xF7A  }
0x23: {  	s9 =	sor.u32 $0xD0000000, s2;
	s6 =	simm.s32 $0x108;
	_ =	swait.ge @!p0 [sflag:s8], $0x0  }
0x24: {  	s3 =	sadd.s32 $0x88, s3;
	s6 =	simm.s32 @!p1 $0x1082;
	[sflag:s4] =	ssyncset.s32 $0xFFFFF086  }
0x25: {  	[simem:s6], [sflag:s4] =	dma.local [hbm:s3], $0xF7A  }
0x26: {  	[smem:$0x3F9D] =	sst s1;
	(tag) =	ssettag s2;
	_ =	strace s9  }
0x27: {  	s1 =	sld [smem:$0x3FAD]  }
0x28: {  	s2 =	sld [smem:$0x3FAE]  }
0x29: {  	s4 =	sld [smem:$0x3FB0]  }
0x2a: {  	p0 =	seq.s32 s5, $0x0;
	s5 =	sld [smem:$0x3FB1]  }
0x2b: {  	s6 =	sld [smem:$0x3FB2]  }
0x2c: {  	s7 =	sld [smem:$0x3FB3]  }
0x2d: {  	s3 =	simm.s32 $0x108;
	s8 =	sld [smem:$0x3FB4]  }
0x2e: {  	s3 =	simm.s32 @!p0 $0x1082;
	s9 =	sld [smem:$0x3FB5]  }
0x2f: {  	lr =	sadd.s32 s0, s3;
	s0 =	sld [smem:$0x3FAC]  }
0x30: {  	s3 =	sld [smem:$0x3FAF]  }
0x31: {  	[smem:$0x3FB8] =	sst s10  }
0x32: {  	s10 =	sld [smem:$0x3FB6];
	_ =	sdelay $0x3  }
0x33: {  	p0 =	seq.s32 s10, $0x1;
	s10 =	sld [smem:$0x3FB8];
	_ =	sdelay $0x3  }
0x34: {  	[smem:$0x3FB8] =	sst s10  }
0x35: {  	s10 =	sld [smem:$0x3FB7];
	_ =	sdelay $0x3  }
0x36: {  	p1 =	seq.s32 s10, $0x1;
	s10 =	sld [smem:$0x3FB8];
	_ =	sdelay $0x3  }
0x37: {  	[smem:$0x3FB8] =	sst s10  }
0x38: {  	s10 =	sld [smem:$0x3FB9]  }
0x39: {  	_ = 	snop;
	(pc) =	sbr.ind lr, $3  }
0x3a: {  	_ = 	snop  }
0x3b: {  	_ = 	snop  }
0x3c: {  	p2 =	seq.s32 s10, $0x1;
	s10 =	sld [smem:$0x3FB8]  }
0x3d: {  	_ =	shalt  }
0x3e: {  	_ =	shalt  }
0x3f: {  	_ =	shalt  }
0x40: {  	_ =	shalt  }
0x41: {  	_ =	shalt  }
0x42: {  	_ =	shalt  }
0x43: {  	_ =	shalt  }
0x44: {  	_ =	shalt  }
0x45: {  	_ =	shalt  }
0x46: {  	_ =	shalt  }
0x47: {  	_ =	shalt  }
0x48: {  	_ =	shalt  }
0x49: {  	_ =	shalt  }
0x4a: {  	_ =	shalt  }
0x4b: {  	_ =	shalt  }
0x4c: {  	_ =	shalt  }
0x4d: {  	_ =	shalt  }
0x4e: {  	_ =	shalt  }
0x4f: {  	_ =	shalt  }
0x50: {  	_ =	shalt  }
0x51: {  	_ =	shalt  }
0x52: {  	_ =	shalt  }
0x53: {  	_ =	shalt  }
0x54: {  	_ =	shalt  }
0x55: {  	_ =	shalt  }
0x56: {  	_ =	shalt  }
0x57: {  	_ =	shalt  }
0x58: {  	_ =	shalt  }
0x59: {  	_ =	shalt  }
0x5a: {  	_ =	shalt  }
0x5b: {  	_ =	shalt  }
0x5c: {  	_ =	shalt  }
0x5d: {  	_ =	shalt  }
0x5e: {  	_ =	shalt  }
0x5f: {  	_ =	shalt  }
0x60: {  	_ =	shalt  }
0x61: {  	_ =	shalt  }
0x62: {  	_ =	shalt  }
0x63: {  	_ =	shalt  }
0x64: {  	_ =	shalt  }
0x65: {  	_ =	shalt  }
0x66: {  	_ =	shalt  }
0x67: {  	_ =	shalt  }
0x68: {  	_ =	shalt  }
0x69: {  	_ =	shalt  }
0x6a: {  	_ =	shalt  }
0x6b: {  	_ =	shalt  }
0x6c: {  	_ =	shalt  }
0x6d: {  	_ =	shalt  }
0x6e: {  	_ =	shalt  }
0x6f: {  	_ =	shalt  }
0x70: {  	_ =	shalt  }
0x71: {  	_ =	shalt  }
0x72: {  	_ =	shalt  }
0x73: {  	_ =	shalt  }
0x74: {  	_ =	shalt  }
0x75: {  	_ =	shalt  }
0x76: {  	_ =	shalt  }
0x77: {  	_ =	shalt  }
0x78: {  	_ =	shalt  }
0x79: {  	_ =	shalt  }
0x7a: {  	_ =	shalt  }
0x7b: {  	_ =	shalt  }
0x7c: {  	_ =	shalt  }
0x7d: {  	_ =	shalt  }
0x7e: {  	_ =	shalt  }
0x7f: {  	_ =	shalt  }
0x80: {  	_ =	shalt  }
0x81: {  	_ =	shalt  }
0x82: {  	_ =	shalt  }
0x83: {  	_ =	shalt  }
0x84: {  	_ =	shalt  }
0x85: {  	_ =	shalt  }
0x86: {  	_ =	shalt  }
0x87: {  	_ =	shalt  }
.Lfunc_end0:
.L_simem_size_0:
called_computation.2_lowered:
.L_overlay_start_0:
0x88: {  	s2 =	sld [smem:$0x3FD9]  }
0x89: {  	s3 =	sld [smem:$0x3FFE];
	_ =	sdelay $0x1  }
0x8a: {  	s1 =	srdreg.scid  }
0x8b: {  	s0 =	sand.u32 $0x1, s1  }
0x8c: {  	s17 =	sshll.u32 s0, $0xA;
	s2 =	sadd.s32 s3, s2  }
0x8d: {  	s2 =	sadd.s32 s2, s17  }
0x8e: {  	[smem:$0x3FC4] =	sst s2  }
0x8f: {  	_ = 	snop  }
0x90: {  	s2 =	sld [smem:$0x3FD0];
	(tm) =	ssettm $0x1  }
0x91: {  	s18 =	sld [smem:$0x3FFB];
	_ =	sdelay $0x3  }
0x92: {  	_ =	strace s18  }
0x93: {  	s3 =	sld [smem:$0x3FFC];
	_ =	sdelay $0x3  }
0x94: {  	_ =	strace s3  }
0x95: {  	s3 =	sld [smem:$0x3FFD];
	_ =	sdelay $0x3  }
0x96: {  	_ =	strace s3  }
0x97: {  	_ =	strace $0x8FFFFFFF  }
0x98: {  	s19 =	sld [smem:$0x3FDB];
	_ =	sdelay $0x1  }
0x99: {  	s4 =	simm.s32 $_scs_section_size  }
0x9a: {  	s5 =	simm.s32 $_size__tile_overlayer_lowered;
	s6 =	simm.s32 $_tile_overlayer_lowered  }
0x9b: {  	s22 =	simm.s32 $0x1BFF;
	s21 =	sshll.u32 s6, $0x1;
	s3 =	sadd.s32 s4, s19  }
0x9c: {  	s7 =	simm.s32 $0x0;
	s20 =	sshll.u32 s5, $0x1;
	s5 =	sadd.s32 s21, s3  }
0x9d: {  	[timem:s7], [sflag:s22] =	dma.local [hbm:s5], s20  }
0x9e: {  	_ =	swait.ge [sflag:s22], s20  }
0x9f: {  	s4 =	ssub.s32 $0x0, s20;
	[sflag:s22] =	ssyncset.done $0x0  }
0xa0: {  	[sflag:s22] =	ssyncadd.s32 s4;
	_ =	sdelay $0x1  }
0xa1: {  	s23 =	simm.s32 $0x1B8B  }
0xa2: {  	_ =	swait.ge [sflag:s23], $0x1  }
0xa3: {  	[sflag:s23] =	ssyncset.done $0x0  }
0xa4: {  	s25 =	simm.s32 $0x1B8E;
	s24 =	sld [smem:$0x3FFE];
	[sflag:s23] =	ssyncadd.s32 $0xFFFFFFFF  }
0xa5: {  	s26 =	simm.s32 $execute0_lowered;
	[smem:$0x3FD2] =	sst s25  }
0xa6: {  	s5 =	sshll.u32 s26, $0x1;
	_ =	strace $0x80000050;
	[dreg:$0x1] =	wrdreg $0xFFFFFFFF  }
0xa7: {  	s28 =	simm.s32 $_size_execute0_lowered;
	s3 =	sadd.s32 s3, s5;
	[dreg:$0x0] =	wrdreg $0x0  }
0xa8: {  	s5 =	sshll.u32 s28, $0x1;
	[dreg:$0x2] =	wrdreg s3  }
0xa9: {  	[dreg:$0x3] =	wrdreg s5  }
0xaa: {  	[dreg:$0x4] =	wrdreg $0xC0  }
0xab: {  	_ =	task [dreg:s7], $0x5FFFF  }
0xac: {  	[dreg:$0x1] =	wrdreg $0xFFFFFFFF  }
0xad: {  	[dreg:$0x0] =	wrdreg $0x60  }
0xae: {  	[dreg:$0x2] =	wrdreg s24  }
0xaf: {  	[dreg:$0x3] =	wrdreg s2  }
0xb0: {  	[dreg:$0x4] =	wrdreg $0x82000  }
0xb1: {  	[dreg:$0x5] =	wrdreg $0x9  }
0xb2: {  	_ =	task.clear_ibuf [dreg:s7], $0x6FFFF;
	_ =	strace $0x90000050  }
0xb3: {  	s29 =	simm.s32 $0x9;
	_ =	strace $0x80000056  }
0xb4: {  	_ =	swait.ge [sflag:s29], $0x1  }
0xb5: {  	[sflag:s29] =	ssyncadd.s32 $0xFFFFFFFF  }
0xb6: {  	_ =	strace $0x90000056  }
0xb7: {  	_ =	sfence  }
0xb8: {  	s30 =	sld [smem:$0x0];
	_ =	sdelay $0x2  }
0xb9: {  	s31 =	sshll.u32 s1, $0xD;
	s1 =	sshrl.u32 s1, $0x2  }
0xba: {  	s3 =	sand.u32 $0x4000, s31;
	s1 =	sadd.s32 s1, s30  }
0xbb: {  	s0 =	sor.u32 s3, s0;
	s1 =	sshll.u32 s1, $0x11  }
0xbc: {  	s0 =	sor.u32 s1, s0  }
0xbd: {  	s0 =	sadd.s32 $0x8F2B, s0  }
0xbe: {  	[sflag:s0] =	ssyncadd.remote.s32 $0x1  }
0xbf: {  	_ =	sfence.sel $0xFFFF  }
0xc0: {  	[dreg:$0x0] =	wrdreg $0xFFFFFFFF;
	(pc) =	sbr.abs _section_cstart, $3  }
0xc1: {  	[dreg:$0x1] =	wrdreg $0xFFFFFFFF  }
0xc2: {  	_ =	task.clear_ibuf [dreg:s7], $0x2FFFF;
	_ =	strace $0x9FFFFFFF  }
0xc3: {  	(tm) =	ssettm $0x7FFFFFFF  }
tec
execute0_lowered:
.L_overlay_start_1:
0x0: {  	(tag) =	ssettag $0x1  }
0x1: {  	s5 =	rddreg [dreg:$0x0]  }
0x2: {  	s13 =	rddreg [dreg:$0x1]  }
0x3: {  	s0 =	srdreg.scid;
	s2 =	rddreg [dreg:$0x2]  }
0x4: {  	s1 =	stileid.u32;
	s3 =	simm.s32 $0x0;
	s16 =	simm.s32 $0x200  }
0x5: {  	s17 =	simm.s32 $0x3;
	s18 =	simm.s32 $0x80;
	s19 =	simm.s32 $0x100  }
0x6: {  	s20 =	simm.s32 $0x1;
	s21 =	simm.s32 $0x4200;
	s7 =	smul.u32 $0x14000, s1  }
0x7: {  	s22 =	simm.s32 $0x2;
	s23 =	simm.s32 $0x180;
	s9 =	smul.u32 $0x50000, s1  }
0x8: {  	s6 =	sand.u32 $0x1, s0;
	s0 =	rddreg [dreg:$0x3];
	s31 =	smul.u32 $0x50, s1  }
0x9: {  	s24 =	simm.s32 $0x0;
	[smem:$0x7FF] =	sst s3;
	s4 =	smul.u32 $0x140000, s6  }
0xa: {  	_ =	strace $0x80000051;
	s8 =	ssub.s32 $0x2, s6;
	s30 =	sshll.u32 s6, $0x4  }
0xb: {  	s10 =	smul.u32 $0x500, s6;
	s29 =	sshrl.u32 s8, $0x1;
	s9 =	sshrl.u32 s9, $0x2  }
0xc: {  	s12 =	sor.u32 s1, s30;
	s4 =	sadd.s32 s7, s4;
	s14 =	ssub.s32 s8, s29  }
0xd: {  	s12 =	smul.u32 $0xA00, s12;
	s15 =	sadd.s32 s31, s10;
	s7 =	sshrl.u32 s4, $0x3  }
0xe: {  	s4 =	sadd.s32 $0x5C200, s5;
	s15 =	sshll.u32 s15, $0x5;
	s11 =	sadd.s32 s7, s5  }
0xf: {  	s5 =	sadd.s32 s9, s2;
	s10 =	sadd.s32 s13, s12;
	s12 =	smax.u32 s14, $0x1  }
0x10: {  	s15 =	sadd.s32 s15, s13;
	s6 =	sadd.s32 $0x4000, s5;
	s7 =	sadd.s32 $0x8000, s5  }
0x11: {  	s8 =	sadd.s32 $0xC000, s5;
	s9 =	sadd.s32 $0x10000, s5;
	s11 =	sadd.s32 $0x84200, s11  }
0x12: {  	v0 =	vimm.f32 $0.0e+00;
	s13 =	sadd.s32 $0x9E0, s10;
	s14 =	sadd.s32 $0x40, s15;
	s15 =	sadd.s32 $0x20, s15  }
.LBB2_1:
0x13: {  	_ =	strace $0x80000052;
	s25 =	simm.s32 $0x0;
	s26 =	simm.s32 $0x200  }
.LBB2_2:
0x14: {  	p0 =	sne.s32 s26, $0xFE00;
	[tilespmem:s25+$0x270] =	vst v0  }
0x15: {  	[tilespmem:s25+$0x200] =	vst v0  }
0x16: {  	[tilespmem:s25+$0x210] =	vst v0  }
.Ltmp0:
0x17: {  	[tilespmem:s25+$0x220] =	vst v0;
	(pc) =	sbr.rel @p0 .LBB2_2-.Ltmp0, $4  }
0x18: {  	[tilespmem:s25+$0x230] =	vst v0  }
0x19: {  	[tilespmem:s25+$0x240] =	vst v0  }
0x1a: {  	[tilespmem:s25+$0x250] =	vst v0  }
0x1b: {  	[tilespmem:s25+$0x260] =	vst v0;
	s25 =	sshra.s32 s26, $0x2;
	s26 =	sadd.s32 $0x200, s26  }
0x1c: {  	[tilespmem:s25+$0x270] =	vst v0  }
0x1d: {  	[tilespmem:s25+$0x200] =	vst v0  }
0x1e: {  	[tilespmem:s25+$0x210] =	vst v0  }
0x1f: {  	[tilespmem:s25+$0x220] =	vst v0  }
0x20: {  	[tilespmem:s25+$0x230] =	vst v0  }
0x21: {  	[tilespmem:s25+$0x240] =	vst v0  }
0x22: {  	[tilespmem:s25+$0x250] =	vst v0  }
0x23: {  	[tilespmem:s25+$0x260] =	vst v0  }
0x24: {  	_ =	strace $0x90000052  }
0x25: {  	_ =	strace $0x80000053  }
0x26: {  	[spmem:s5] =	stream.linear.scatter [tilespmem:s16], [sflag:$0x3], $0x4000, $0x200038;
	[tilespmem:$0x1C200] =	vst v63  }
0x27: {  	_ =	swait.ge [sflag:s17], $0x4000  }
0x28: {  	[sflag:s17] =	ssyncset.done $0x0  }
0x29: {  	[sflag:s17] =	ssyncadd.s32 $0xFFFFC000  }
0x2a: {  	[spmem:s6] =	stream.linear.scatter [tilespmem:s16], [sflag:$0x3], $0x4000, $0x200038;
	[tilespmem:$0x1C200] =	vst v63  }
0x2b: {  	_ =	swait.ge [sflag:s17], $0x4000  }
0x2c: {  	[sflag:s17] =	ssyncset.done $0x0  }
0x2d: {  	[sflag:s17] =	ssyncadd.s32 $0xFFFFC000  }
0x2e: {  	[spmem:s7] =	stream.linear.scatter [tilespmem:s16], [sflag:$0x3], $0x4000, $0x200038;
	[tilespmem:$0x1C200] =	vst v63  }
0x2f: {  	_ =	swait.ge [sflag:s17], $0x4000  }
0x30: {  	[sflag:s17] =	ssyncset.done $0x0  }
0x31: {  	[sflag:s17] =	ssyncadd.s32 $0xFFFFC000  }
0x32: {  	[spmem:s8] =	stream.linear.scatter [tilespmem:s16], [sflag:$0x3], $0x4000, $0x200038;
	[tilespmem:$0x1C200] =	vst v63  }
0x33: {  	_ =	swait.ge [sflag:s17], $0x4000  }
0x34: {  	[sflag:s17] =	ssyncset.done $0x0  }
0x35: {  	[sflag:s17] =	ssyncadd.s32 $0xFFFFC000  }
0x36: {  	[spmem:s9] =	stream.linear.scatter [tilespmem:s16], [sflag:$0x3], $0x4000, $0x200038;
	[tilespmem:$0x1C200] =	vst v63  }
0x37: {  	_ =	swait.ge [sflag:s17], $0x4000  }
0x38: {  	[sflag:s17] =	ssyncset.done $0x0  }
0x39: {  	[sflag:s17] =	ssyncadd.s32 $0xFFFFC000  }
0x3a: {  	[bflag:$0x0] =	sbarrier.arrive $0xFFFF  }
0x3b: {  	_ =	strace $0x90000053  }
0x3c: {  	s29 =	simm.s32 $0x0;
	_ =	strace $0x80000054  }
0x3d: {  	[tilespmem:s29], [sflag:$0x3] =	stream.linear.gather [hbm4b:s10+s29], $0x100, $0x200038;
	[tilespmem:$0x1C200] =	vst v63  }
0x3e: {  	_ =	swait.ge [sflag:s17], $0x100  }
0x3f: {  	[sflag:s17] =	ssyncset.done $0x0  }
0x40: {  	[sflag:s17] =	ssyncadd.s32 $0xFFFFFF00  }
0x41: {  	[tilespmem:s16], [sflag:$0x1] =	stream.indirect.gather [hbm4b:s4+s18], $0x80, s29, s18, $0x2000b8;
	[tilespmem:$0x1C200] =	vst v63  }
0x42: {  	s30 =	sadd.s32 $0x0, s15  }
0x43: {  	[tilespmem:s19], [sflag:$0x3] =	stream.linear.gather [hbm4b:s30+s3], $0x100, $0x200038;
	[tilespmem:$0x1C200] =	vst v63  }
0x44: {  	_ =	swait.ge [sflag:s17], $0x100  }
0x45: {  	[sflag:s17] =	ssyncset.done $0x0  }
0x46: {  	[sflag:s17] =	ssyncadd.s32 $0xFFFFFF00  }
0x47: {  	_ =	swait.ge [sflag:s20], $0x4000  }
0x48: {  	[sflag:s20] =	ssyncset.done $0x0  }
0x49: {  	[sflag:s20] =	ssyncadd.s32 $0xFFFFC000  }
0x4a: {  	[tilespmem:s21], [sflag:$0x2] =	stream.indirect.gather [hbm4b:s4+s18], $0x80, s19, s18, $0x2000b8;
	[tilespmem:$0x1C200] =	vst v63  }
0x4b: {  	_ = 	snop  }
0x4c: {  	[spmem:s2] =	stream.indirect.scatter.add.f32 [tilespmem:s16], [sflag:$0x3], $0x80, s18, s18, $0x2000b8;
	[tilespmem:$0x1C200] =	vst v63  }
0x4d: {  	_ =	swait.ge [sflag:s17], $0x4000  }
0x4e: {  	[sflag:s17] =	ssyncset.done $0x0  }
0x4f: {  	s31 =	sadd.s32 $0x0, s14;
	[sflag:s17] =	ssyncadd.s32 $0xFFFFC000  }
0x50: {  	[tilespmem:s3], [sflag:$0x3] =	stream.linear.gather [hbm4b:s31+s3], $0x100, $0x200038;
	[tilespmem:$0x1C200] =	vst v63  }
0x51: {  	_ =	swait.ge [sflag:s17], $0x100  }
0x52: {  	[sflag:s17] =	ssyncset.done $0x0  }
0x53: {  	[sflag:s17] =	ssyncadd.s32 $0xFFFFFF00  }
0x54: {  	_ =	swait.ge [sflag:s22], $0x4000  }
0x55: {  	[sflag:s22] =	ssyncset.done $0x0  }
0x56: {  	[sflag:s22] =	ssyncadd.s32 $0xFFFFC000  }
0x57: {  	[tilespmem:s16], [sflag:$0x1] =	stream.indirect.gather [hbm4b:s4+s18], $0x80, s3, s18, $0x2000b8;
	[tilespmem:$0x1C200] =	vst v63  }
0x58: {  	_ = 	snop  }
0x59: {  	[spmem:s2] =	stream.indirect.scatter.add.f32 [tilespmem:s21], [sflag:$0x3], $0x80, s23, s18, $0x2000b8;
	[tilespmem:$0x1C200] =	vst v63  }
0x5a: {  	_ =	swait.ge [sflag:s17], $0x4000  }
0x5b: {  	s25 =	simm.s32 $0x40;
	[sflag:s17] =	ssyncset.done $0x0  }
.LBB2_4:
0x5c: {  	p0 =	sne.s32 s25, $0x980  }
0x5d: {  	[sflag:s17] =	ssyncadd.s32 $0xFFFFC000;
	s26 =	smov.u32 s25;
	s25 =	sadd.s32 $0x40, s25  }
0x5e: {  	s28 =	sadd.s32 s26, s15  }
0x5f: {  	[tilespmem:s19], [sflag:$0x3] =	stream.linear.gather [hbm4b:s28+s3], $0x100, $0x200038;
	[tilespmem:$0x1C200] =	vst v63  }
0x60: {  	_ =	swait.ge [sflag:s17], $0x100  }
0x61: {  	[sflag:s17] =	ssyncset.done $0x0  }
0x62: {  	[sflag:s17] =	ssyncadd.s32 $0xFFFFFF00  }
0x63: {  	_ =	swait.ge [sflag:s20], $0x4000  }
0x64: {  	[sflag:s20] =	ssyncset.done $0x0  }
0x65: {  	[sflag:s20] =	ssyncadd.s32 $0xFFFFC000  }
0x66: {  	[tilespmem:s21], [sflag:$0x2] =	stream.indirect.gather [hbm4b:s4+s18], $0x80, s19, s18, $0x2000b8;
	[tilespmem:$0x1C200] =	vst v63  }
0x67: {  	_ = 	snop  }
0x68: {  	[spmem:s2] =	stream.indirect.scatter.add.f32 [tilespmem:s16], [sflag:$0x3], $0x80, s18, s18, $0x2000b8;
	[tilespmem:$0x1C200] =	vst v63  }
0x69: {  	_ =	swait.ge [sflag:s17], $0x4000  }
0x6a: {  	[sflag:s17] =	ssyncset.done $0x0  }
0x6b: {  	s26 =	sadd.s32 s26, s14;
	[sflag:s17] =	ssyncadd.s32 $0xFFFFC000  }
0x6c: {  	[tilespmem:s3], [sflag:$0x3] =	stream.linear.gather [hbm4b:s26+s3], $0x100, $0x200038;
	[tilespmem:$0x1C200] =	vst v63  }
0x6d: {  	_ =	swait.ge [sflag:s17], $0x100  }
0x6e: {  	[sflag:s17] =	ssyncset.done $0x0  }
0x6f: {  	[sflag:s17] =	ssyncadd.s32 $0xFFFFFF00  }
0x70: {  	_ =	swait.ge [sflag:s22], $0x4000  }
0x71: {  	[sflag:s22] =	ssyncset.done $0x0  }
0x72: {  	[sflag:s22] =	ssyncadd.s32 $0xFFFFC000  }
0x73: {  	[tilespmem:s16], [sflag:$0x1] =	stream.indirect.gather [hbm4b:s4+s18], $0x80, s3, s18, $0x2000b8;
	[tilespmem:$0x1C200] =	vst v63  }
.Ltmp1:
0x74: {  	_ = 	snop;
	(pc) =	sbr.rel @p0 .LBB2_4-.Ltmp1, $4  }
0x75: {  	_ = 	snop  }
0x76: {  	[spmem:s2] =	stream.indirect.scatter.add.f32 [tilespmem:s21], [sflag:$0x3], $0x80, s23, s18, $0x2000b8;
	[tilespmem:$0x1C200] =	vst v63  }
0x77: {  	_ =	swait.ge [sflag:s17], $0x4000  }
0x78: {  	[sflag:s17] =	ssyncset.done $0x0  }
0x79: {  	[sflag:s17] =	ssyncadd.s32 $0xFFFFC000  }
0x7a: {  	[tilespmem:s19], [sflag:$0x3] =	stream.linear.gather [hbm4b:s13+s3], $0x100, $0x200038;
	[tilespmem:$0x1C200] =	vst v63  }
0x7b: {  	_ =	swait.ge [sflag:s17], $0x100  }
0x7c: {  	[sflag:s17] =	ssyncset.done $0x0  }
0x7d: {  	[sflag:s17] =	ssyncadd.s32 $0xFFFFFF00  }
0x7e: {  	_ =	swait.ge [sflag:s20], $0x4000  }
0x7f: {  	[sflag:s20] =	ssyncset.done $0x0  }
0x80: {  	[sflag:s20] =	ssyncadd.s32 $0xFFFFC000  }
0x81: {  	[tilespmem:s21], [sflag:$0x2] =	stream.indirect.gather [hbm4b:s4+s18], $0x80, s19, s18, $0x2000b8;
	[tilespmem:$0x1C200] =	vst v63  }
0x82: {  	_ = 	snop  }
0x83: {  	[spmem:s2] =	stream.indirect.scatter.add.f32 [tilespmem:s16], [sflag:$0x3], $0x80, s18, s18, $0x2000b8;
	[tilespmem:$0x1C200] =	vst v63  }
0x84: {  	_ =	swait.ge [sflag:s17], $0x4000  }
0x85: {  	[sflag:s17] =	ssyncset.done $0x0  }
0x86: {  	[sflag:s17] =	ssyncadd.s32 $0xFFFFC000  }
0x87: {  	_ =	swait.ge [sflag:s22], $0x4000  }
0x88: {  	[sflag:s22] =	ssyncset.done $0x0  }
0x89: {  	[sflag:s22] =	ssyncadd.s32 $0xFFFFC000  }
0x8a: {  	[spmem:s2] =	stream.indirect.scatter.add.f32 [tilespmem:s21], [sflag:$0x3], $0x80, s23, s18, $0x2000b8;
	[tilespmem:$0x1C200] =	vst v63  }
0x8b: {  	_ =	swait.ge [sflag:s17], $0x4000  }
0x8c: {  	[sflag:s17] =	ssyncset.done $0x0  }
0x8d: {  	[sflag:s17] =	ssyncadd.s32 $0xFFFFC000  }
0x8e: {  	s25 =	sshll.u32 s1, $0x6;
	[bflag:$0x0] =	sbarrier.arrive $0xFFFF  }
0x8f: {  	s26 =	sshrl.u32 s5, $0x3;
	s24 =	sadd.s32 $0x1, s24;
	_ =	strace $0x90000054  }
0x90: {  	s25 =	sor.u32 $0x1C03, s25;
	p0 =	sne.s32 s24, s12;
	_ =	strace $0x80000055  }
0x91: {  	[hbm:s11], [sflag:s25] =	dma.local [spmem:s26], $0x2800  }
.Ltmp2:
0x92: {  	_ = 	snop;
	(pc) =	sbr.rel @p0 .LBB2_1-.Ltmp2, $4  }
0x93: {  	_ =	swait.ge [sflag:s17], $0x2800  }
0x94: {  	[sflag:s17] =	ssyncset.done $0x0  }
0x95: {  	[sflag:s17] =	ssyncadd.s32 $0xFFFFD800  }
0x96: {  	_ =	strace $0x90000055  }
0x97: {  	_ =	sfence.sel $0x180000  }
0x98: {  	[bflag:$0x0] =	sbarrier.arrive $0xFFFF  }
0x99: {  	p0 =	sne.s32 s1, $0x0;
	_ =	strace $0x90000051  }
0x9a: {  	s0 =	sadd.s32 @!p0 $0x100000, s0;
	[bflag:$0x2] =	sbarrier.arrive $0xFFFF  }
0x9b: {  	[sflag:s0] =	ssyncadd.tile.s32 @!p0 $0x1;
	_ =	shalt  }
.Lfunc_end2:
_tile_overlayer_lowered:
.L_overlay_start_2:
0x9c: {  	(tag) =	ssettag $0x2  }
0x9d: {  	s0 =	rddreg [dreg:$0x0];
	s2 =	stileid.u32  }
0x9e: {  	s1 =	rddreg [dreg:$0x1];
	p0 =	sne.s32 s2, $0x0  }
0x9f: {  	s3 =	rddreg [dreg:$0x2];
	[bflag:$0x3] =	sbarrier.arrive $0xFFFF;
	s2 =	simm.s32 @!p0 $0x1C03  }
0xa0: {  	[timem:s3], [sflag:s2] =	dma.local @!p0 [hbm:s0], s1  }
0xa1: {  	s0 =	simm.s32 @!p0 $0x3  }
0xa2: {  	_ =	swait.ge @!p0 [sflag:s0], s1  }
0xa3: {  	s1 =	ssub.s32 @!p0 $0x0, s1;
	[sflag:s0] =	ssyncset.done @!p0 $0x0  }
0xa4: {  	[sflag:s0] =	ssyncadd.s32 @!p0 s1  }
0xa5: {  	[bflag:$0x3] =	sbarrier.arrive $0xFFFF  }
0xa6: {  	_ =	shalt  }

// kernel: kernel.8.cloned.1.call-start
scs
__scs_entry_jumppad:
0x0: {  	(pc) =	sbr.rel $0x88, $3  }
0x1: {  	(tag) =	ssettag $0x0;
	lr =	simm.s32 $0x1  }
0x2: {  	[smem:$0x3F9D] =	sst lr;
	_ =	strace $0xD0000000  }
0x3: {  	_ = 	snop  }
0x4: {  	_ = 	snop  }
0x5: {  	_ = 	snop  }
0x6: {  	_ = 	snop  }
0x7: {  	_ = 	snop  }
__scs_overlays_trampoline_lowered:
0x8: {  	[smem:$0x3FAC] =	sst s0  }
0x9: {  	[smem:$0x3FAD] =	sst s1  }
0xa: {  	[smem:$0x3FAE] =	sst s2  }
0xb: {  	[smem:$0x3FAF] =	sst s3  }
0xc: {  	[smem:$0x3FB0] =	sst s4  }
0xd: {  	[smem:$0x3FB1] =	sst s5  }
0xe: {  	[smem:$0x3FB2] =	sst s6  }
0xf: {  	[smem:$0x3FB3] =	sst s7  }
0x10: {  	[smem:$0x3FB4] =	sst s8  }
0x11: {  	[smem:$0x3FB5] =	sst s9;
	s0 =	simm.s32 @!p0 $0x0  }
0x12: {  	s1 =	sld [smem:$0x3F9B];
	s0 =	simm.s32 @p0 $0x1  }
0x13: {  	[smem:$0x3FB6] =	sst s0;
	s0 =	simm.s32 @!p1 $0x0  }
0x14: {  	s2 =	sld [smem:$0x3F9A];
	s0 =	simm.s32 @p1 $0x1  }
0x15: {  	[smem:$0x3FB7] =	sst s0;
	s0 =	simm.s32 @!p2 $0x0  }
0x16: {  	s3 =	sld [smem:$0x3FDB];
	s0 =	simm.s32 @p2 $0x1  }
0x17: {  	s4 =	simm.s32 $0x1BF5;
	[smem:$0x3FB9] =	sst s0  }
0x18: {  	s0 =	sld [smem:$0x3F9C];
	_ =	swait.ge [sflag:s4], $0x0  }
0x19: {  	s7 =	sld [smem:$0x3F9D]  }
0x1a: {  	s8 =	sadd.s32 $0xFFFFE003, lr  }
0x1b: {  	s9 =	sadd.s32 $0xFFFFFEF7, lr;
	s5 =	simm.s32 $0xFFFFFFFF;
	p2 =	slt.u32 s8, $0xFFFFF086  }
0x1c: {  	p1 =	slt.u32 s9, $0xF7A;
	s5 =	simm.s32 @!p2 $0x0  }
0x1d: {  	s5 =	simm.s32 @p1 $0x1;
	p0 =	seq.s32 s7, s2  }
0x1e: {  	s7 =	smul.u32 @!p0 $0xF7A, s2;
	p2 =	seq.s32 @!p0 s5, $0x0  }
0x1f: {  	s9 =	smul.u32 $0xF7A, s1;
	s8 =	simm.s32 @!p0 $0x1BF5;
	p2 =	por !p2, p0  }
0x20: {  	[sflag:s8] =	ssyncset.s32 @!p0 $0xFFFFF086;
	s6 =	sadd.s32 @!p0 s3, s7;
	s7 =	simm.s32 @!p0 $0x108  }
0x21: {  	s3 =	sadd.s32 s3, s9;
	s6 =	sadd.s32 @!p0 $0x88, s6;
	s7 =	simm.s32 @p2 $0x1082  }
0x22: {  	[simem:s7], [sflag:s8] =	dma.local @!p0 [hbm:s6], $0xF7A  }
0x23: {  	s9 =	sor.u32 $0xD0000000, s2;
	s6 =	simm.s32 $0x108;
	_ =	swait.ge @!p0 [sflag:s8], $0x0  }
0x24: {  	s3 =	sadd.s32 $0x88, s3;
	s6 =	simm.s32 @!p1 $0x1082;
	[sflag:s4] =	ssyncset.s32 $0xFFFFF086  }
0x25: {  	[simem:s6], [sflag:s4] =	dma.local [hbm:s3], $0xF7A  }
0x26: {  	[smem:$0x3F9D] =	sst s1;
	(tag) =	ssettag s2;
	_ =	strace s9  }
0x27: {  	s1 =	sld [smem:$0x3FAD]  }
0x28: {  	s2 =	sld [smem:$0x3FAE]  }
0x29: {  	s4 =	sld [smem:$0x3FB0]  }
0x2a: {  	p0 =	seq.s32 s5, $0x0;
	s5 =	sld [smem:$0x3FB1]  }
0x2b: {  	s6 =	sld [smem:$0x3FB2]  }
0x2c: {  	s7 =	sld [smem:$0x3FB3]  }
0x2d: {  	s3 =	simm.s32 $0x108;
	s8 =	sld [smem:$0x3FB4]  }
0x2e: {  	s3 =	simm.s32 @!p0 $0x1082;
	s9 =	sld [smem:$0x3FB5]  }
0x2f: {  	lr =	sadd.s32 s0, s3;
	s0 =	sld [smem:$0x3FAC]  }
0x30: {  	s3 =	sld [smem:$0x3FAF]  }
0x31: {  	[smem:$0x3FB8] =	sst s10  }
0x32: {  	s10 =	sld [smem:$0x3FB6];
	_ =	sdelay $0x3  }
0x33: {  	p0 =	seq.s32 s10, $0x1;
	s10 =	sld [smem:$0x3FB8];
	_ =	sdelay $0x3  }
0x34: {  	[smem:$0x3FB8] =	sst s10  }
0x35: {  	s10 =	sld [smem:$0x3FB7];
	_ =	sdelay $0x3  }
0x36: {  	p1 =	seq.s32 s10, $0x1;
	s10 =	sld [smem:$0x3FB8];
	_ =	sdelay $0x3  }
0x37: {  	[smem:$0x3FB8] =	sst s10  }
0x38: {  	s10 =	sld [smem:$0x3FB9]  }
0x39: {  	_ = 	snop;
	(pc) =	sbr.ind lr, $3  }
0x3a: {  	_ = 	snop  }
0x3b: {  	_ = 	snop  }
0x3c: {  	p2 =	seq.s32 s10, $0x1;
	s10 =	sld [smem:$0x3FB8]  }
0x3d: {  	_ =	shalt  }
0x3e: {  	_ =	shalt  }
0x3f: {  	_ =	shalt  }
0x40: {  	_ =	shalt  }
0x41: {  	_ =	shalt  }
0x42: {  	_ =	shalt  }
0x43: {  	_ =	shalt  }
0x44: {  	_ =	shalt  }
0x45: {  	_ =	shalt  }
0x46: {  	_ =	shalt  }
0x47: {  	_ =	shalt  }
0x48: {  	_ =	shalt  }
0x49: {  	_ =	shalt  }
0x4a: {  	_ =	shalt  }
0x4b: {  	_ =	shalt  }
0x4c: {  	_ =	shalt  }
0x4d: {  	_ =	shalt  }
0x4e: {  	_ =	shalt  }
0x4f: {  	_ =	shalt  }
0x50: {  	_ =	shalt  }
0x51: {  	_ =	shalt  }
0x52: {  	_ =	shalt  }
0x53: {  	_ =	shalt  }
0x54: {  	_ =	shalt  }
0x55: {  	_ =	shalt  }
0x56: {  	_ =	shalt  }
0x57: {  	_ =	shalt  }
0x58: {  	_ =	shalt  }
0x59: {  	_ =	shalt  }
0x5a: {  	_ =	shalt  }
0x5b: {  	_ =	shalt  }
0x5c: {  	_ =	shalt  }
0x5d: {  	_ =	shalt  }
0x5e: {  	_ =	shalt  }
0x5f: {  	_ =	shalt  }
0x60: {  	_ =	shalt  }
0x61: {  	_ =	shalt  }
0x62: {  	_ =	shalt  }
0x63: {  	_ =	shalt  }
0x64: {  	_ =	shalt  }
0x65: {  	_ =	shalt  }
0x66: {  	_ =	shalt  }
0x67: {  	_ =	shalt  }
0x68: {  	_ =	shalt  }
0x69: {  	_ =	shalt  }
0x6a: {  	_ =	shalt  }
0x6b: {  	_ =	shalt  }
0x6c: {  	_ =	shalt  }
0x6d: {  	_ =	shalt  }
0x6e: {  	_ =	shalt  }
0x6f: {  	_ =	shalt  }
0x70: {  	_ =	shalt  }
0x71: {  	_ =	shalt  }
0x72: {  	_ =	shalt  }
0x73: {  	_ =	shalt  }
0x74: {  	_ =	shalt  }
0x75: {  	_ =	shalt  }
0x76: {  	_ =	shalt  }
0x77: {  	_ =	shalt  }
0x78: {  	_ =	shalt  }
0x79: {  	_ =	shalt  }
0x7a: {  	_ =	shalt  }
0x7b: {  	_ =	shalt  }
0x7c: {  	_ =	shalt  }
0x7d: {  	_ =	shalt  }
0x7e: {  	_ =	shalt  }
0x7f: {  	_ =	shalt  }
0x80: {  	_ =	shalt  }
0x81: {  	_ =	shalt  }
0x82: {  	_ =	shalt  }
0x83: {  	_ =	shalt  }
0x84: {  	_ =	shalt  }
0x85: {  	_ =	shalt  }
0x86: {  	_ =	shalt  }
0x87: {  	_ =	shalt  }
.Lfunc_end0:
.L_simem_size_0:
called_computation_lowered:
.L_overlay_start_0:
0x88: {  	s2 =	sld [smem:$0x3FD9]  }
0x89: {  	s3 =	sld [smem:$0x3FFE];
	_ =	sdelay $0x1  }
0x8a: {  	s1 =	srdreg.scid  }
0x8b: {  	s0 =	sand.u32 $0x1, s1  }
0x8c: {  	s16 =	sshll.u32 s0, $0xA;
	s2 =	sadd.s32 s3, s2  }
0x8d: {  	s2 =	sadd.s32 s2, s16  }
0x8e: {  	[smem:$0x3FC4] =	sst s2  }
0x8f: {  	_ = 	snop  }
0x90: {  	(tm) =	ssettm $0x1  }
0x91: {  	s17 =	sld [smem:$0x3FFB];
	_ =	sdelay $0x3  }
0x92: {  	_ =	strace s17  }
0x93: {  	s2 =	sld [smem:$0x3FFC];
	_ =	sdelay $0x3  }
0x94: {  	_ =	strace s2  }
0x95: {  	s2 =	sld [smem:$0x3FFD];
	_ =	sdelay $0x3  }
0x96: {  	_ =	strace s2  }
0x97: {  	_ =	strace $0x8FFFFFFF  }
0x98: {  	s18 =	sld [smem:$0x3FDB];
	_ =	sdelay $0x1  }
0x99: {  	s19 =	simm.s32 $_scs_section_size  }
0x9a: {  	s4 =	simm.s32 $_size__tile_overlayer_lowered;
	s5 =	simm.s32 $_tile_overlayer_lowered  }
0x9b: {  	s22 =	simm.s32 $0x1BFF;
	s21 =	sshll.u32 s5, $0x1;
	s2 =	sadd.s32 s19, s18  }
0x9c: {  	s6 =	simm.s32 $0x0;
	s20 =	sshll.u32 s4, $0x1;
	s4 =	sadd.s32 s21, s2  }
0x9d: {  	[timem:s6], [sflag:s22] =	dma.local [hbm:s4], s20  }
0x9e: {  	_ =	swait.ge [sflag:s22], s20  }
0x9f: {  	s3 =	ssub.s32 $0x0, s20;
	[sflag:s22] =	ssyncset.done $0x0  }
0xa0: {  	[sflag:s22] =	ssyncadd.s32 s3;
	_ =	sdelay $0x1  }
0xa1: {  	s23 =	simm.s32 $0x1B8B  }
0xa2: {  	_ =	swait.ge [sflag:s23], $0x1  }
0xa3: {  	[sflag:s23] =	ssyncset.done $0x0  }
0xa4: {  	s25 =	simm.s32 $0x1B8E;
	s24 =	sld [smem:$0x3FFE];
	[sflag:s23] =	ssyncadd.s32 $0xFFFFFFFF  }
0xa5: {  	s26 =	simm.s32 $execute0_lowered;
	[smem:$0x3FD2] =	sst s25  }
0xa6: {  	s4 =	sshll.u32 s26, $0x1;
	_ =	strace $0x80000046;
	[dreg:$0x1] =	wrdreg $0xFFFFFFFF  }
0xa7: {  	s28 =	simm.s32 $_size_execute0_lowered;
	s2 =	sadd.s32 s2, s4;
	[dreg:$0x0] =	wrdreg $0x0  }
0xa8: {  	s4 =	sshll.u32 s28, $0x1;
	[dreg:$0x2] =	wrdreg s2  }
0xa9: {  	[dreg:$0x3] =	wrdreg s4  }
0xaa: {  	[dreg:$0x4] =	wrdreg $0xC0  }
0xab: {  	_ =	task [dreg:s6], $0x5FFFF  }
0xac: {  	[dreg:$0x1] =	wrdreg $0xFFFFFFFF  }
0xad: {  	[dreg:$0x0] =	wrdreg $0x60  }
0xae: {  	[dreg:$0x2] =	wrdreg s24  }
0xaf: {  	[dreg:$0x3] =	wrdreg $0xA8000  }
0xb0: {  	[dreg:$0x4] =	wrdreg $0x9  }
0xb1: {  	_ =	task.clear_ibuf [dreg:s6], $0x5FFFF;
	_ =	strace $0x90000046  }
0xb2: {  	s29 =	simm.s32 $0x9;
	_ =	strace $0x80000048  }
0xb3: {  	_ =	swait.ge [sflag:s29], $0x1  }
0xb4: {  	[sflag:s29] =	ssyncadd.s32 $0xFFFFFFFF  }
0xb5: {  	_ =	strace $0x90000048  }
0xb6: {  	_ =	sfence  }
0xb7: {  	s30 =	sld [smem:$0x0];
	_ =	sdelay $0x2  }
0xb8: {  	s31 =	sshll.u32 s1, $0xD;
	s1 =	sshrl.u32 s1, $0x2  }
0xb9: {  	s3 =	sand.u32 $0x4000, s31;
	s1 =	sadd.s32 s1, s30  }
0xba: {  	s0 =	sor.u32 s3, s0;
	s1 =	sshll.u32 s1, $0x11  }
0xbb: {  	s0 =	sor.u32 s1, s0  }
0xbc: {  	s0 =	sadd.s32 $0x8F2B, s0  }
0xbd: {  	[sflag:s0] =	ssyncadd.remote.s32 $0x1  }
0xbe: {  	_ =	sfence.sel $0xFFFF  }
0xbf: {  	[dreg:$0x0] =	wrdreg $0xFFFFFFFF;
	(pc) =	sbr.abs _section_cstart, $3  }
0xc0: {  	[dreg:$0x1] =	wrdreg $0xFFFFFFFF  }
0xc1: {  	_ =	task.clear_ibuf [dreg:s6], $0x2FFFF;
	_ =	strace $0x9FFFFFFF  }
0xc2: {  	(tm) =	ssettm $0x7FFFFFFF  }
0xc3: {  	_ =	shalt  }
tec
execute0_lowered:
.L_overlay_start_1:
0x0: {  	(tag) =	ssettag $0x1  }
0x1: {  	s0 =	srdreg.scid;
	s5 =	rddreg [dreg:$0x0]  }
0x2: {  	s2 =	rddreg [dreg:$0x1];
	s3 =	simm.s32 $0x0;
	s4 =	sand.u32 $0x1, s0  }
0x3: {  	s13 =	simm.s32 $0x1;
	s0 =	stileid.u32;
	s7 =	smul.u32 $0x140000, s4  }
0x4: {  	s14 =	simm.s32 $0x80;
	s15 =	simm.s32 $0x2800;
	s8 =	smul.u32 $0x14000, s0  }
0x5: {  	[smem:$0x7FF] =	sst s3;
	s1 =	sshll.u32 s4, $0x4;
	s9 =	smul.u32 $0x50000, s0  }
0x6: {  	s29 =	ssub.s32 $0x2, s4;
	s16 =	sshll.u32 s0, $0x6;
	s1 =	sor.u32 s0, s1  }
0x7: {  	s31 =	sshrl.u32 s29, $0x1;
	s16 =	sor.u32 $0x1C01, s16;
	s6 =	smul.u32 $0x500, s1  }
0x8: {  	s1 =	rddreg [dreg:$0x2];
	_ =	strace $0x80000047;
	s30 =	sshrl.u32 s9, $0x2  }
0x9: {  	s28 =	sadd.s32 s8, s7;
	s12 =	ssub.s32 s29, s31;
	s4 =	sadd.s32 s30, s2  }
0xa: {  	s10 =	sadd.s32 s6, s5;
	s6 =	sshrl.u32 s28, $0x3;
	s7 =	sadd.s32 $0xC000, s4  }
0xb: {  	s8 =	sadd.s32 $0x10000, s4;
	s17 =	sshrl.u32 s4, $0x3;
	s11 =	sadd.s32 s6, s5  }
0xc: {  	s5 =	sadd.s32 $0x4000, s4;
	s6 =	sadd.s32 $0x8000, s4;
	s9 =	sadd.s32 $0x2200, s10  }
0xd: {  	v0 =	vimm.f32 $1.000000000e+00;
	v1 =	vimm.f32 $0.0e+00;
	s10 =	sadd.s32 $0xC200, s11;
	s11 =	smax.u32 s12, $0x1;
	s12 =	simm.s32 $0x6800  }
.LBB2_1:
0xe: {  	s18 =	simm.s32 $0x200;
	s19 =	simm.s32 $0x0  }
.LBB2_2:
0xf: {  	p0 =	sne.s32 s18, $0xFE00;
	[tilespmem:s19+$0x2800] =	vst v0;
	s20 =	smov.u32 s18;
	s18 =	sadd.s32 $0x200, s18  }
.Ltmp0:
0x10: {  	[tilespmem:s19+$0x6800] =	vst v1;
	(pc) =	sbr.rel @p0 .LBB2_2-.Ltmp0, $2  }
0x11: {  	_ =	sdelay $0x2  }
0x12: {  	s19 =	sshra.s32 s20, $0x2  }
0x13: {  	[tilespmem:s19+$0x2800] =	vst v0  }
0x14: {  	[tilespmem:s19+$0x6800] =	vst v1  }
0x15: {  	[spmem:s4] =	stream.linear.scatter [tilespmem:s12], [sflag:$0x1], $0x4000, $0x38;
	[tilespmem:$0xD000] =	vst v63  }
0x16: {  	_ =	swait.ge [sflag:s13], $0x4000  }
0x17: {  	[sflag:s13] =	ssyncset.done $0x0  }
0x18: {  	[sflag:s13] =	ssyncadd.s32 $0xFFFFC000  }
0x19: {  	[spmem:s5] =	stream.linear.scatter [tilespmem:s12], [sflag:$0x1], $0x4000, $0x38;
	[tilespmem:$0xD000] =	vst v63  }
0x1a: {  	_ =	swait.ge [sflag:s13], $0x4000  }
0x1b: {  	[sflag:s13] =	ssyncset.done $0x0  }
0x1c: {  	[sflag:s13] =	ssyncadd.s32 $0xFFFFC000  }
0x1d: {  	[spmem:s6] =	stream.linear.scatter [tilespmem:s12], [sflag:$0x1], $0x4000, $0x38;
	[tilespmem:$0xD000] =	vst v63  }
0x1e: {  	_ =	swait.ge [sflag:s13], $0x4000  }
0x1f: {  	[sflag:s13] =	ssyncset.done $0x0  }
0x20: {  	[sflag:s13] =	ssyncadd.s32 $0xFFFFC000  }
0x21: {  	[spmem:s7] =	stream.linear.scatter [tilespmem:s12], [sflag:$0x1], $0x4000, $0x38;
	[tilespmem:$0xD000] =	vst v63  }
0x22: {  	_ =	swait.ge [sflag:s13], $0x4000  }
0x23: {  	[sflag:s13] =	ssyncset.done $0x0  }
0x24: {  	[sflag:s13] =	ssyncadd.s32 $0xFFFFC000  }
0x25: {  	[spmem:s8] =	stream.linear.scatter [tilespmem:s12], [sflag:$0x1], $0x4000, $0x38;
	[tilespmem:$0xD000] =	vst v63  }
0x26: {  	_ =	swait.ge [sflag:s13], $0x4000  }
0x27: {  	[sflag:s13] =	ssyncset.done $0x0  }
0x28: {  	[sflag:s13] =	ssyncadd.s32 $0xFFFFC000  }
0x29: {  	s18 =	simm.s32 $0x0;
	[bflag:$0x0] =	sbarrier.arrive $0xFFFF  }
0x2a: {  	[tilespmem:s18], [sflag:$0x1] =	stream.linear.gather [hbm4b:s9+s18], $0x2800, $0x38;
	[tilespmem:$0xD000] =	vst v63  }
0x2b: {  	_ =	swait.ge [sflag:s13], $0x2800  }
0x2c: {  	[sflag:s13] =	ssyncset.done $0x0  }
0x2d: {  	s31 =	simm.s32 $0x0;
	[sflag:s13] =	ssyncadd.s32 $0xFFFFD800  }
0x2e: {  	[spmem:s2] =	stream.indirect.scatter.add.f32 [tilespmem:s15], [sflag:$0x1], $0x10, s31, s14, $0xb8;
	[tilespmem:$0xD000] =	vst v63  }
0x2f: {  	_ =	swait.ge [sflag:s13], $0x800  }
0x30: {  	s18 =	simm.s32 $0x200;
	[sflag:s13] =	ssyncset.done $0x0  }
.LBB2_4:
0x31: {  	s19 =	sshra.s32 s18, $0x2;
	[sflag:s13] =	ssyncadd.s32 $0xFFFFF800;
	p0 =	sne.s32 s18, $0x9E00  }
0x32: {  	[spmem:s2] =	stream.indirect.scatter.add.f32 [tilespmem:s15], [sflag:$0x1], $0x10, s19, s14, $0xb8;
	[tilespmem:$0xD000] =	vst v63  }
.Ltmp1:
0x33: {  	_ = 	snop;
	(pc) =	sbr.rel @p0 .LBB2_4-.Ltmp1, $4  }
0x34: {  	_ = 	snop  }
0x35: {  	s18 =	sadd.s32 $0x200, s18  }
0x36: {  	_ =	swait.ge [sflag:s13], $0x800  }
0x37: {  	[sflag:s13] =	ssyncset.done $0x0  }
0x38: {  	s3 =	sadd.s32 $0x1, s3  }
0x39: {  	[sflag:s13] =	ssyncadd.s32 $0xFFFFF800;
	p0 =	sne.s32 s3, s11  }
.Ltmp2:
0x3a: {  	[bflag:$0x0] =	sbarrier.arrive $0xFFFF;
	(pc) =	sbr.rel @p0 .LBB2_1-.Ltmp2, $4  }
0x3b: {  	[hbm:s10], [sflag:s16] =	dma.local [spmem:s17], $0x2800  }
0x3c: {  	_ =	swait.ge [sflag:s13], $0x2800  }
0x3d: {  	[sflag:s13] =	ssyncset.done $0x0  }
0x3e: {  	[sflag:s13] =	ssyncadd.s32 $0xFFFFD800  }
0x3f: {  	_ =	sfence.sel $0x180000  }
0x40: {  	[bflag:$0x0] =	sbarrier.arrive $0xFFFF  }
0x41: {  	p0 =	sne.s32 s0, $0x0;
	_ =	strace $0x90000047  }
0x42: {  	s0 =	sadd.s32 @!p0 $0x100000, s1;
	[bflag:$0x2] =	sbarrier.arrive $0xFFFF  }
0x43: {  	[sflag:s0] =	ssyncadd.tile.s32 @!p0 $0x1;
	_ =	shalt  }
.Lfunc_end2:
_tile_overlayer_lowered:
.L_overlay_start_2:
0x44: {  	(tag) =	ssettag $0x2  }
0x45: {  	s0 =	rddreg [dreg:$0x0];
	s2 =	stileid.u32  }
0x46: {  	s1 =	rddreg [dreg:$0x1];
	p0 =	sne.s32 s2, $0x0  }
0x47: {  	s3 =	rddreg [dreg:$0x2];
	[bflag:$0x3] =	sbarrier.arrive $0xFFFF;
	s2 =	simm.s32 @!p0 $0x1C01  }
0x48: {  	[timem:s3], [sflag:s2] =	dma.local @!p0 [hbm:s0], s1  }
0x49: {  	s0 =	simm.s32 @!p0 $0x1  }
0x4a: {  	_ =	swait.ge @!p0 [sflag:s0], s1  }
0x4b: {  	s1 =	ssub.s32 @!p0 $0x0, s1;
	[sflag:s0] =	ssyncset.done @!p0 $0x0  }
0x4c: {  	[sflag:s0] =	ssyncadd.s32 @!p0 s1  }
0x4d: {  	[bflag:$0x3] =	sbarrier.arrive $0xFFFF  }
0x4e: {  	_ =	shalt  }

</sc_bundles>
